<compile_context>
chip_gen: v7x
topology: tpu7x:2x2x1
jax: 0.10.2.dev20260603
libtpu: 0.0.44.dev20260713+nightly
codegen_flags: <defaults>
</compile_context>

<pallas_src>
import functools

import jax
import jax.numpy as jnp
from jax import lax
from jax.experimental import pallas as pl
from jax.experimental.pallas import tpu as pltpu
from jax.experimental.pallas import tpu_sc as plsc

B = 1024
HIST = 200
TGT = 50
D = 64
N = B * HIST
T = B * TGT

NC = 2
NS = 16
NW = NC * NS
SEGS_PER_W = B // NW
CH = 40
NCH_SEG = HIST // CH
TGT_PER_W = T // NW
TCH = 80
NCH_TGT = TGT_PER_W // TCH


def _sc_body(item_idx_hbm, tgt_idx_hbm, iw_hbm,
             seg_sum_hbm, tgt_rows_hbm,
             idx_all, rows, stage, tidx, trows, gsem, ssem, tsem, wsem):
    wid = lax.axis_index("s") * NC + lax.axis_index("c")

    pltpu.sync_copy(
        item_idx_hbm.at[pl.ds(wid * SEGS_PER_W, SEGS_PER_W)], idx_all)
    pltpu.sync_copy(tgt_idx_hbm.at[wid], tidx)

    def fire_seg(i, slot):
        for j in range(NCH_SEG):
            pltpu.async_copy(iw_hbm.at[idx_all.at[i, j]],
                             rows.at[slot, pl.ds(j * CH, CH)], gsem.at[slot])

    fire_seg(0, 0)

    def seg_step(i, carry):
        slot = lax.rem(i, 2)

        @pl.when(i + 1 < SEGS_PER_W)
        def _():
            fire_seg(i + 1, 1 - slot)

        pltpu.make_async_copy(
            iw_hbm.at[pl.ds(0, HIST)], rows.at[slot], gsem.at[slot]).wait()

        rslot = rows.at[slot]

        def acc_step(r, acc):
            out = []
            for k in range(4):
                a = acc[k]
                for u in range(4):
                    a = a + rslot[4 * r + u, pl.ds(k * 16, 16)]
                out.append(a)
            return tuple(out)

        zeros = tuple(jnp.zeros((16,), jnp.float32) for _ in range(4))
        acc = lax.fori_loop(0, HIST // 4, acc_step, zeros)

        s = wid * SEGS_PER_W + i

        @pl.when(i >= 2)
        def _():
            pltpu.make_async_copy(
                stage.at[slot], seg_sum_hbm.at[s], ssem.at[slot]).wait()

        for k in range(4):
            stage[slot, pl.ds(k * 16, 16)] = acc[k]
        pltpu.async_copy(stage.at[slot], seg_sum_hbm.at[s], ssem.at[slot])
        return carry

    lax.fori_loop(0, SEGS_PER_W, seg_step, 0)

    tbase = wid * TGT_PER_W

    def fire_tgt(c, slot):
        pltpu.async_copy(iw_hbm.at[tidx.at[c]], trows.at[slot], tsem.at[slot])

    fire_tgt(0, 0)

    def tgt_step(c, carry):
        slot = lax.rem(c, 2)

        @pl.when(c + 1 < NCH_TGT)
        def _():
            @pl.when(c >= 1)
            def _():
                pltpu.make_async_copy(
                    trows.at[1 - slot],
                    tgt_rows_hbm.at[pl.ds(tbase, TCH)],
                    wsem.at[1 - slot]).wait()
            fire_tgt(c + 1, 1 - slot)

        pltpu.make_async_copy(
            iw_hbm.at[pl.ds(0, TCH)], trows.at[slot], tsem.at[slot]).wait()
        pltpu.async_copy(
            trows.at[slot], tgt_rows_hbm.at[pl.ds(tbase + c * TCH, TCH)],
            wsem.at[slot])
        return carry

    lax.fori_loop(0, NCH_TGT, tgt_step, 0)

    for sl in range(2):
        pltpu.make_async_copy(
            trows.at[sl], tgt_rows_hbm.at[pl.ds(tbase, TCH)],
            wsem.at[sl]).wait()
        pltpu.make_async_copy(
            stage.at[sl], seg_sum_hbm.at[0], ssem.at[sl]).wait()


@functools.lru_cache(maxsize=1)
def _make_sc_gather():
    return pl.kernel(
        _sc_body,
        out_type=(
            jax.ShapeDtypeStruct((B, D), jnp.float32),
            jax.ShapeDtypeStruct((T, D), jnp.float32),
        ),
        mesh=plsc.VectorSubcoreMesh(
            core_axis_name="c", subcore_axis_name="s",
            num_cores=NC, num_subcores=NS),
        scratch_types=(
            pltpu.VMEM((SEGS_PER_W, NCH_SEG, CH), jnp.int32),
            pltpu.VMEM((2, HIST, D), jnp.float32),
            pltpu.VMEM((2, D), jnp.float32),
            pltpu.VMEM((NCH_TGT, TCH), jnp.int32),
            pltpu.VMEM((2, TCH, D), jnp.float32),
            pltpu.SemaphoreType.DMA((2,)),
            pltpu.SemaphoreType.DMA((2,)),
            pltpu.SemaphoreType.DMA((2,)),
            pltpu.SemaphoreType.DMA((2,)),
        ),
        compiler_params=pltpu.CompilerParams(use_tc_tiling_on_sc=False),
    )


UBLK = 128


def _tc_user_gather_body(ulast_smem, ulast_vec, uwt_ref, out_ref, buf, gsem):
    step = pl.program_id(0)

    def issue(j, carry):
        u = ulast_smem[step * UBLK + j]
        col = pl.multiple_of((u >> 7) << 7, 128)
        pltpu.make_async_copy(
            uwt_ref.at[:, pl.ds(col, 128)], buf.at[j], gsem).start()
        return carry

    lax.fori_loop(0, UBLK, issue, 0)

    def drain(j, carry):
        pltpu.make_async_copy(
            uwt_ref.at[:, pl.ds(0, 128)], buf.at[j], gsem).wait()
        return carry

    lax.fori_loop(0, UBLK, drain, 0)
    lane = (ulast_vec[...] & 127)
    onehot = (lax.broadcasted_iota(jnp.int32, (UBLK, 1, 128), 2)
              == lane[:, None, None]).astype(jnp.float32)
    out_ref[...] = jnp.sum(buf[...] * onehot, axis=-1)


_tc_user_gather = pl.pallas_call(
    _tc_user_gather_body,
    grid=(B // UBLK,),
    in_specs=[
        pl.BlockSpec(memory_space=pltpu.SMEM),
        pl.BlockSpec((UBLK,), lambda i: (i,)),
        pl.BlockSpec(memory_space=pl.ANY),
    ],
    out_specs=pl.BlockSpec((UBLK, D), lambda i: (i, 0)),
    out_shape=jax.ShapeDtypeStruct((B, D), jnp.float32),
    scratch_shapes=[
        pltpu.VMEM((UBLK, D, 128), jnp.float32),
        pltpu.SemaphoreType.DMA,
    ],
)


V = 1000000
TCOLS = 16384
TGRID = (V + TCOLS - 1) // TCOLS
HALF = TCOLS // 2
HSHIFT = HALF.bit_length() - 1
VP = TGRID * TCOLS


def _tc_transpose_body(src, dst):
    t_lo = jnp.transpose(src[:, :HALF], (1, 0))
    t_hi = jnp.transpose(src[:, HALF:], (1, 0))
    dst[...] = jnp.concatenate([t_lo, t_hi], axis=1)


_tc_transpose = pl.pallas_call(
    _tc_transpose_body,
    grid=(TGRID,),
    in_specs=[pl.BlockSpec((D, TCOLS), lambda i: (0, i))],
    out_specs=pl.BlockSpec((HALF, 2 * D), lambda i: (i, 0)),
    out_shape=jax.ShapeDtypeStruct((TGRID * HALF, 2 * D), jnp.float32),
)


def _remap_idx(r):
    return (r & -TCOLS) + ((r & (HALF - 1)) << 1) + ((r >> HSHIFT) & 1)


BLK = 256
GRID = B // BLK


def _tc_body(seg_sum, user_rows, sizef, tgt, rating, simplex_out, loss_out):
    step = pl.program_id(0)
    item_mean = seg_sum[...] / (sizef[...] + 1e-6)
    emb = 0.5 * user_rows[...] + 0.5 * item_mean
    emb = emb - jnp.mean(emb, axis=-1, keepdims=True)
    nrm = jnp.sqrt(jnp.sum(emb * emb, axis=-1, keepdims=True))
    emb = emb / jnp.maximum(nrm, 1e-12)

    t = tgt[...]
    t = t - jnp.mean(t, axis=-1, keepdims=True)
    tn = jnp.sqrt(jnp.sum(t * t, axis=-1, keepdims=True))
    t = t / jnp.maximum(tn, 1e-12)

    x = jnp.sum(emb[:, None, :] * t, axis=-1)
    simplex_out[...] = x

    r = rating[...]
    terms = jnp.maximum(x, 0.0) - x * r + jnp.log1p(jnp.exp(-jnp.abs(x)))
    part = jnp.sum(terms)

    @pl.when(step == 0)
    def _():
        loss_out[...] = jnp.zeros((1, 1), jnp.float32)
    loss_out[...] += jnp.reshape(part, (1, 1))
    @pl.when(step == GRID - 1)
    def _():
        loss_out[...] = loss_out[...] / T


_tc_epilogue = pl.pallas_call(
    _tc_body,
    grid=(GRID,),
    in_specs=[
        pl.BlockSpec((BLK, D), lambda i: (i, 0)),
        pl.BlockSpec((BLK, D), lambda i: (i, 0)),
        pl.BlockSpec((BLK, 1), lambda i: (i, 0)),
        pl.BlockSpec((BLK, TGT, D), lambda i: (i, 0, 0)),
        pl.BlockSpec((BLK, TGT), lambda i: (i, 0)),
    ],
    out_specs=[
        pl.BlockSpec((BLK, TGT), lambda i: (i, 0)),
        pl.BlockSpec((1, 1), lambda i: (0, 0)),
    ],
    out_shape=[
        jax.ShapeDtypeStruct((B, TGT), jnp.float32),
        jax.ShapeDtypeStruct((1, 1), jnp.float32),
    ],
)


def kernel(user, target_user, item, target_item, target_rating, size,
           target_size, user_weight, item_weight):
    ulast = user.reshape(B, HIST)[:, HIST - 1]
    item_idx = _remap_idx(item).reshape(B, NCH_SEG, CH)
    tgt_idx = _remap_idx(target_item).reshape(NW, NCH_TGT, TCH)

    user_rows = _tc_user_gather(ulast, ulast, user_weight.T)
    item_rm = _tc_transpose(item_weight.T).reshape(VP, D)
    seg_sum, tgt_rows = _make_sc_gather()(item_idx, tgt_idx, item_rm)

    sizef = size.astype(jnp.float32).reshape(B, 1)
    simplex, loss = _tc_epilogue(
        seg_sum, user_rows, sizef,
        tgt_rows.reshape(B, TGT, D), target_rating.reshape(B, TGT))
    return (loss[0, 0], simplex.reshape(T))

# --- scband reference (transcript-rebuilt; emitter-appended) ---
"""Pipeline reference for scband-simple-x-85426899517964 (READ-ONLY COPY).

The authoritative reference and input builder live on the scoring server;
editing this copy changes nothing except your own understanding.
"""

import jax, jax.numpy as jnp
import numpy as np

NUM_USERS = 1000000
NUM_ITEMS = 1000000
HIDDEN = 64
B = 1024
HIST = 200
TGT = 50
N = B * HIST
T = B * TGT


def setup_inputs(seed: int = 0) -> dict:
    key = jax.random.key(seed)
    ks = jax.random.split(key, 9)
    user = jax.random.randint(ks[0], (N,), 0, NUM_USERS, dtype=jnp.int32)
    target_user = jax.random.randint(ks[1], (T,), 0, NUM_USERS, dtype=jnp.int32)
    item = jax.random.randint(ks[2], (N,), 0, NUM_ITEMS, dtype=jnp.int32)
    target_item = jax.random.randint(ks[3], (T,), 0, NUM_ITEMS, dtype=jnp.int32)
    target_rating = (jax.random.uniform(ks[4], (T,)) > 0.5).astype(jnp.float32)
    size = jnp.full((B,), HIST, dtype=jnp.int32)
    target_size = jnp.full((B,), TGT, dtype=jnp.int32)
    # learned params: nn.init.normal_(w, 0.0, 0.0001)
    user_weight = jax.random.normal(ks[5], (NUM_USERS, HIDDEN), dtype=jnp.float32) * 1e-4
    item_weight = jax.random.normal(ks[6], (NUM_ITEMS, HIDDEN), dtype=jnp.float32) * 1e-4
    return {
        "user": user,
        "target_user": target_user,
        "item": item,
        "target_item": target_item,
        "target_rating": target_rating,
        "size": size,
        "target_size": target_size,
        "user_weight": user_weight,
        "item_weight": item_weight,
    }


def _l2_normalize(x, eps=1e-12):
    # F.normalize(x, dim=-1): x / max(||x||_2, eps)
    n = jnp.sqrt(jnp.sum(x * x, axis=-1, keepdims=True))
    return x / jnp.maximum(n, eps)


def _bce_with_logits(logits, targets):
    # numerically stable BCE-with-logits, mean reduction (loss_fn for implicit target_mode)
    return jnp.mean(jnp.maximum(logits, 0.0) - logits * targets + jnp.log1p(jnp.exp(-jnp.abs(logits))))


def reference(user, target_user, item, target_item, target_rating, size, target_size, user_weight, item_weight):
    # eval path, cfg['data_mode'] == 'user', cfg['target_mode'] == 'implicit'
    b = size.shape[0]
    rating = target_rating
    # user_embedding(user)[cumsum(size)-1] : last interaction row per user segment
    last_idx = jnp.cumsum(size) - 1
    user_emb = jnp.take(user_weight, user, axis=0)[last_idx]  # [B, d]
    # item embeddings for full history
    item_emb = jnp.take(item_weight, item, axis=0)  # [N, d]
    # cusum_size: per-segment sum over ragged history, then mean
    seg_ids = jnp.repeat(jnp.arange(b), size, total_repeat_length=item.shape[0])
    seg_sum = jax.ops.segment_sum(item_emb, seg_ids, num_segments=b)  # [B, d]
    item_mean = seg_sum / (size[:, None].astype(jnp.float32) + 1e-6)
    embedding = 0.5 * user_emb + 0.5 * item_mean  # [B, d]
    # repeat_interleave by target_size
    embedding = jnp.repeat(embedding, target_size, axis=0, total_repeat_length=target_item.shape[0])  # [T, d]
    target_item_embedding = jnp.take(item_weight, target_item, axis=0)  # [T, d]
    embedding = _l2_normalize(embedding - jnp.mean(embedding, axis=-1, keepdims=True))
    target_item_embedding = _l2_normalize(target_item_embedding - jnp.mean(target_item_embedding, axis=-1, keepdims=True))
    # bmm of [T,1,d] x [T,d,1] -> dot per row
    simplex = jnp.sum(embedding * target_item_embedding, axis=-1).reshape(-1)  # [T]
    loss = _bce_with_logits(simplex, rating)
    return (loss, simplex)

if __name__ == "__main__":
    import jax
    _d = setup_inputs()
    print(jax.jit(kernel)(*tuple(_d.values())))

</pallas_src>

<mosaic_0001>
#map = affine_map<(d0, d1) -> (0, 0, 0)>
#map1 = affine_map<(d0, d1) -> (0, 0)>
module attributes {stable_mosaic.version = 14 : i64} {
  func.func @_sc_body(%arg0: i32, %arg1: i32, %arg2: memref<1024x5x40xi32, #tpu.memory_space<hbm>>, %arg3: memref<32x20x80xi32, #tpu.memory_space<hbm>>, %arg4: memref<1015808x64xf32, #tpu.memory_space<hbm>>, %arg5: memref<1024x64xf32, #tpu.memory_space<hbm>>, %arg6: memref<51200x64xf32, #tpu.memory_space<hbm>>, %arg7: memref<32x5x40xi32, #tpu.memory_space<vmem>>, %arg8: memref<2x200x64xf32, #tpu.memory_space<vmem>>, %arg9: memref<2x64xf32, #tpu.memory_space<vmem>>, %arg10: memref<20x80xi32, #tpu.memory_space<vmem>>, %arg11: memref<2x80x64xf32, #tpu.memory_space<vmem>>, %arg12: memref<2x!tpu.dma_semaphore, #tpu.memory_space<semaphore_mem>>, %arg13: memref<2x!tpu.dma_semaphore, #tpu.memory_space<semaphore_mem>>, %arg14: memref<2x!tpu.dma_semaphore, #tpu.memory_space<semaphore_mem>>, %arg15: memref<2x!tpu.dma_semaphore, #tpu.memory_space<semaphore_mem>>) attributes {dimension_semantics = [#tpu.dimension_semantics<core_parallel>, #tpu.dimension_semantics<subcore_parallel>], iteration_bounds = array<i64: 2, 16>, scalar_prefetch = 0 : i64, scratch_operands = 9 : i64, tpu.core_type = #tpu.core_type<sc_vector_subcore>, window_params = [{transform_indices = #map}, {transform_indices = #map}, {transform_indices = #map1}, {transform_indices = #map1}, {transform_indices = #map1}]} {
    %mul3A = arith.constant 2 : i32
    %mul3A_0 = arith.muli %arg1, %mul3A : i32
    %add3A = arith.addi %mul3A_0, %arg0 : i32
    %mul3A_1 = arith.constant 32 : i32
    %mul3A_2 = arith.muli %add3A, %mul3A_1 : i32
    "tpu.region"() ({
      %run_scoped3A = tpu.sem_alloc : memref<!tpu.dma_semaphore, #tpu.memory_space<semaphore_mem>>
      %dma_start3A_175 = arith.constant 0 : i32
      %dma_start3A_176 = arith.constant 0 : i32
      %dma_start3A_177 = tpu.memref_slice %arg2[%mul3A_2, %dma_start3A_175, %dma_start3A_176] : memref<1024x5x40xi32, #tpu.memory_space<hbm>> -> memref<32x5x40xi32, #tpu.memory_space<hbm>>
      %dma_start3A_178 = arith.constant 0 : i32
      %dma_start3A_179 = arith.constant 0 : i32
      %dma_start3A_180 = tpu.memref_slice %arg2[%mul3A_2, %dma_start3A_178, %dma_start3A_179] : memref<1024x5x40xi32, #tpu.memory_space<hbm>> -> memref<32x5x40xi32, #tpu.memory_space<hbm>>
      tpu.enqueue_dma source(%dma_start3A_180 : memref<32x5x40xi32, #tpu.memory_space<hbm>>) target(%arg7 : memref<32x5x40xi32, #tpu.memory_space<vmem>>) target_semaphore(%run_scoped3A : memref<!tpu.dma_semaphore, #tpu.memory_space<semaphore_mem>>)
      %dma_wait3A_181 = arith.constant 0 : i32
      %dma_wait3A_182 = arith.constant 0 : i32
      %dma_wait3A_183 = tpu.memref_slice %arg2[%mul3A_2, %dma_wait3A_181, %dma_wait3A_182] : memref<1024x5x40xi32, #tpu.memory_space<hbm>> -> memref<32x5x40xi32, #tpu.memory_space<hbm>>
      %dma_wait3A_184 = arith.constant 0 : i32
      %dma_wait3A_185 = arith.constant 0 : i32
      %dma_wait3A_186 = tpu.memref_slice %arg2[%mul3A_2, %dma_wait3A_184, %dma_wait3A_185] : memref<1024x5x40xi32, #tpu.memory_space<hbm>> -> memref<32x5x40xi32, #tpu.memory_space<hbm>>
      tpu.wait_dma2 semaphore(%run_scoped3A : memref<!tpu.dma_semaphore, #tpu.memory_space<semaphore_mem>>) src(%dma_wait3A_186 : memref<32x5x40xi32, #tpu.memory_space<hbm>>) dst(%arg7 : memref<32x5x40xi32, #tpu.memory_space<vmem>>)
      tpu.yield
    }) : () -> ()
    "tpu.region"() ({
      %run_scoped3A = tpu.sem_alloc : memref<!tpu.dma_semaphore, #tpu.memory_space<semaphore_mem>>
      %dma_start3A_175 = arith.constant 0 : i32
      %dma_start3A_176 = arith.constant 0 : i32
      %dma_start3A_177 = tpu.memref_slice %arg3[%add3A, %dma_start3A_175, %dma_start3A_176] : memref<32x20x80xi32, #tpu.memory_space<hbm>> -> memref<1x20x80xi32, #tpu.memory_space<hbm>>
      %dma_start3A_178 = tpu.memref_squeeze %dma_start3A_177 : memref<1x20x80xi32, #tpu.memory_space<hbm>> -> memref<20x80xi32, #tpu.memory_space<hbm>>
      %dma_start3A_179 = arith.constant 0 : i32
      %dma_start3A_180 = arith.constant 0 : i32
      %dma_start3A_181 = tpu.memref_slice %arg3[%add3A, %dma_start3A_179, %dma_start3A_180] : memref<32x20x80xi32, #tpu.memory_space<hbm>> -> memref<1x20x80xi32, #tpu.memory_space<hbm>>
      %dma_start3A_182 = tpu.memref_squeeze %dma_start3A_181 : memref<1x20x80xi32, #tpu.memory_space<hbm>> -> memref<20x80xi32, #tpu.memory_space<hbm>>
      tpu.enqueue_dma source(%dma_start3A_182 : memref<20x80xi32, #tpu.memory_space<hbm>>) target(%arg10 : memref<20x80xi32, #tpu.memory_space<vmem>>) target_semaphore(%run_scoped3A : memref<!tpu.dma_semaphore, #tpu.memory_space<semaphore_mem>>)
      %dma_wait3A_183 = arith.constant 0 : i32
      %dma_wait3A_184 = arith.constant 0 : i32
      %dma_wait3A_185 = tpu.memref_slice %arg3[%add3A, %dma_wait3A_183, %dma_wait3A_184] : memref<32x20x80xi32, #tpu.memory_space<hbm>> -> memref<1x20x80xi32, #tpu.memory_space<hbm>>
      %dma_wait3A_186 = tpu.memref_squeeze %dma_wait3A_185 : memref<1x20x80xi32, #tpu.memory_space<hbm>> -> memref<20x80xi32, #tpu.memory_space<hbm>>
      %dma_wait3A_187 = arith.constant 0 : i32
      %dma_wait3A_188 = arith.constant 0 : i32
      %dma_wait3A_189 = tpu.memref_slice %arg3[%add3A, %dma_wait3A_187, %dma_wait3A_188] : memref<32x20x80xi32, #tpu.memory_space<hbm>> -> memref<1x20x80xi32, #tpu.memory_space<hbm>>
      %dma_wait3A_190 = tpu.memref_squeeze %dma_wait3A_189 : memref<1x20x80xi32, #tpu.memory_space<hbm>> -> memref<20x80xi32, #tpu.memory_space<hbm>>
      tpu.wait_dma2 semaphore(%run_scoped3A : memref<!tpu.dma_semaphore, #tpu.memory_space<semaphore_mem>>) src(%dma_wait3A_190 : memref<20x80xi32, #tpu.memory_space<hbm>>) dst(%arg10 : memref<20x80xi32, #tpu.memory_space<vmem>>)
      tpu.yield
    }) : () -> ()
    %dma_start3A = arith.constant 0 : i32
    %dma_start3A_3 = arith.constant 0 : i32
    %dma_start3A_4 = arith.constant 0 : i32
    %dma_start3A_5 = arith.constant 0 : i32
    %dma_start3A_6 = arith.constant 0 : i32
    %dma_start3A_7 = arith.constant 0 : i32
    %dma_start3A_8 = tpu.memref_slice %arg8[%dma_start3A_4, %dma_start3A_6, %dma_start3A_7] : memref<2x200x64xf32, #tpu.memory_space<vmem>> -> memref<1x40x64xf32, #tpu.memory_space<vmem>>
    %dma_start3A_9 = tpu.memref_squeeze %dma_start3A_8 : memref<1x40x64xf32, #tpu.memory_space<vmem>> -> memref<40x64xf32, #tpu.memory_space<vmem>>
    %dma_start3A_10 = arith.constant 0 : i32
    %dma_start3A_11 = tpu.memref_slice %arg7[%dma_start3A, %dma_start3A_3, %dma_start3A_10] : memref<32x5x40xi32, #tpu.memory_space<vmem>> -> memref<1x1x40xi32, #tpu.memory_space<vmem>>
    %dma_start3A_12 = tpu.memref_squeeze %dma_start3A_11 : memref<1x1x40xi32, #tpu.memory_space<vmem>> -> memref<40xi32, #tpu.memory_space<vmem>>
    %dma_start3A_13 = arith.constant 0 : i32
    %dma_start3A_14 = arith.constant 0 : i32
    %dma_start3A_15 = tpu.memref_slice %arg4[%dma_start3A_13, %dma_start3A_14] : memref<1015808x64xf32, #tpu.memory_space<hbm>> -> memref<1015808x64xf32, #tpu.memory_space<hbm>>
    %dma_start3A_16 = tpu.memref_slice %arg12[%dma_start3A_5] : memref<2x!tpu.dma_semaphore, #tpu.memory_space<semaphore_mem>> -> memref<1x!tpu.dma_semaphore, #tpu.memory_space<semaphore_mem>>
    %dma_start3A_17 = tpu.memref_squeeze %dma_start3A_16 : memref<1x!tpu.dma_semaphore, #tpu.memory_space<semaphore_mem>> -> memref<!tpu.dma_semaphore, #tpu.memory_space<semaphore_mem>>
    tpu.enqueue_indirect_dma source(%dma_start3A_15 : memref<1015808x64xf32, #tpu.memory_space<hbm>>) target(%dma_start3A_9 : memref<40x64xf32, #tpu.memory_space<vmem>>) offsets(%dma_start3A_12 : memref<40xi32, #tpu.memory_space<vmem>>) semaphore(%dma_start3A_17 : memref<!tpu.dma_semaphore, #tpu.memory_space<semaphore_mem>>)
    %dma_start3A_18 = arith.constant 0 : i32
    %dma_start3A_19 = arith.constant 1 : i32
    %dma_start3A_20 = arith.constant 0 : i32
    %dma_start3A_21 = arith.constant 0 : i32
    %dma_start3A_22 = arith.constant 40 : i32
    %dma_start3A_23 = arith.constant 0 : i32
    %dma_start3A_24 = tpu.memref_slice %arg8[%dma_start3A_20, %dma_start3A_22, %dma_start3A_23] : memref<2x200x64xf32, #tpu.memory_space<vmem>> -> memref<1x40x64xf32, #tpu.memory_space<vmem>>
    %dma_start3A_25 = tpu.memref_squeeze %dma_start3A_24 : memref<1x40x64xf32, #tpu.memory_space<vmem>> -> memref<40x64xf32, #tpu.memory_space<vmem>>
    %dma_start3A_26 = arith.constant 0 : i32
    %dma_start3A_27 = tpu.memref_slice %arg7[%dma_start3A_18, %dma_start3A_19, %dma_start3A_26] : memref<32x5x40xi32, #tpu.memory_space<vmem>> -> memref<1x1x40xi32, #tpu.memory_space<vmem>>
    %dma_start3A_28 = tpu.memref_squeeze %dma_start3A_27 : memref<1x1x40xi32, #tpu.memory_space<vmem>> -> memref<40xi32, #tpu.memory_space<vmem>>
    %dma_start3A_29 = arith.constant 0 : i32
    %dma_start3A_30 = arith.constant 0 : i32
    %dma_start3A_31 = tpu.memref_slice %arg4[%dma_start3A_29, %dma_start3A_30] : memref<1015808x64xf32, #tpu.memory_space<hbm>> -> memref<1015808x64xf32, #tpu.memory_space<hbm>>
    %dma_start3A_32 = tpu.memref_slice %arg12[%dma_start3A_21] : memref<2x!tpu.dma_semaphore, #tpu.memory_space<semaphore_mem>> -> memref<1x!tpu.dma_semaphore, #tpu.memory_space<semaphore_mem>>
    %dma_start3A_33 = tpu.memref_squeeze %dma_start3A_32 : memref<1x!tpu.dma_semaphore, #tpu.memory_space<semaphore_mem>> -> memref<!tpu.dma_semaphore, #tpu.memory_space<semaphore_mem>>
    tpu.enqueue_indirect_dma source(%dma_start3A_31 : memref<1015808x64xf32, #tpu.memory_space<hbm>>) target(%dma_start3A_25 : memref<40x64xf32, #tpu.memory_space<vmem>>) offsets(%dma_start3A_28 : memref<40xi32, #tpu.memory_space<vmem>>) semaphore(%dma_start3A_33 : memref<!tpu.dma_semaphore, #tpu.memory_space<semaphore_mem>>)
    %dma_start3A_34 = arith.constant 0 : i32
    %dma_start3A_35 = arith.constant 2 : i32
    %dma_start3A_36 = arith.constant 0 : i32
    %dma_start3A_37 = arith.constant 0 : i32
    %dma_start3A_38 = arith.constant 80 : i32
    %dma_start3A_39 = arith.constant 0 : i32
    %dma_start3A_40 = tpu.memref_slice %arg8[%dma_start3A_36, %dma_start3A_38, %dma_start3A_39] : memref<2x200x64xf32, #tpu.memory_space<vmem>> -> memref<1x40x64xf32, #tpu.memory_space<vmem>>
    %dma_start3A_41 = tpu.memref_squeeze %dma_start3A_40 : memref<1x40x64xf32, #tpu.memory_space<vmem>> -> memref<40x64xf32, #tpu.memory_space<vmem>>
    %dma_start3A_42 = arith.constant 0 : i32
    %dma_start3A_43 = tpu.memref_slice %arg7[%dma_start3A_34, %dma_start3A_35, %dma_start3A_42] : memref<32x5x40xi32, #tpu.memory_space<vmem>> -> memref<1x1x40xi32, #tpu.memory_space<vmem>>
    %dma_start3A_44 = tpu.memref_squeeze %dma_start3A_43 : memref<1x1x40xi32, #tpu.memory_space<vmem>> -> memref<40xi32, #tpu.memory_space<vmem>>
    %dma_start3A_45 = arith.constant 0 : i32
    %dma_start3A_46 = arith.constant 0 : i32
    %dma_start3A_47 = tpu.memref_slice %arg4[%dma_start3A_45, %dma_start3A_46] : memref<1015808x64xf32, #tpu.memory_space<hbm>> -> memref<1015808x64xf32, #tpu.memory_space<hbm>>
    %dma_start3A_48 = tpu.memref_slice %arg12[%dma_start3A_37] : memref<2x!tpu.dma_semaphore, #tpu.memory_space<semaphore_mem>> -> memref<1x!tpu.dma_semaphore, #tpu.memory_space<semaphore_mem>>
    %dma_start3A_49 = tpu.memref_squeeze %dma_start3A_48 : memref<1x!tpu.dma_semaphore, #tpu.memory_space<semaphore_mem>> -> memref<!tpu.dma_semaphore, #tpu.memory_space<semaphore_mem>>
    tpu.enqueue_indirect_dma source(%dma_start3A_47 : memref<1015808x64xf32, #tpu.memory_space<hbm>>) target(%dma_start3A_41 : memref<40x64xf32, #tpu.memory_space<vmem>>) offsets(%dma_start3A_44 : memref<40xi32, #tpu.memory_space<vmem>>) semaphore(%dma_start3A_49 : memref<!tpu.dma_semaphore, #tpu.memory_space<semaphore_mem>>)
    %dma_start3A_50 = arith.constant 0 : i32
    %dma_start3A_51 = arith.constant 3 : i32
    %dma_start3A_52 = arith.constant 0 : i32
    %dma_start3A_53 = arith.constant 0 : i32
    %dma_start3A_54 = arith.constant 120 : i32
    %dma_start3A_55 = arith.constant 0 : i32
    %dma_start3A_56 = tpu.memref_slice %arg8[%dma_start3A_52, %dma_start3A_54, %dma_start3A_55] : memref<2x200x64xf32, #tpu.memory_space<vmem>> -> memref<1x40x64xf32, #tpu.memory_space<vmem>>
    %dma_start3A_57 = tpu.memref_squeeze %dma_start3A_56 : memref<1x40x64xf32, #tpu.memory_space<vmem>> -> memref<40x64xf32, #tpu.memory_space<vmem>>
    %dma_start3A_58 = arith.constant 0 : i32
    %dma_start3A_59 = tpu.memref_slice %arg7[%dma_start3A_50, %dma_start3A_51, %dma_start3A_58] : memref<32x5x40xi32, #tpu.memory_space<vmem>> -> memref<1x1x40xi32, #tpu.memory_space<vmem>>
    %dma_start3A_60 = tpu.memref_squeeze %dma_start3A_59 : memref<1x1x40xi32, #tpu.memory_space<vmem>> -> memref<40xi32, #tpu.memory_space<vmem>>
    %dma_start3A_61 = arith.constant 0 : i32
    %dma_start3A_62 = arith.constant 0 : i32
    %dma_start3A_63 = tpu.memref_slice %arg4[%dma_start3A_61, %dma_start3A_62] : memref<1015808x64xf32, #tpu.memory_space<hbm>> -> memref<1015808x64xf32, #tpu.memory_space<hbm>>
    %dma_start3A_64 = tpu.memref_slice %arg12[%dma_start3A_53] : memref<2x!tpu.dma_semaphore, #tpu.memory_space<semaphore_mem>> -> memref<1x!tpu.dma_semaphore, #tpu.memory_space<semaphore_mem>>
    %dma_start3A_65 = tpu.memref_squeeze %dma_start3A_64 : memref<1x!tpu.dma_semaphore, #tpu.memory_space<semaphore_mem>> -> memref<!tpu.dma_semaphore, #tpu.memory_space<semaphore_mem>>
    tpu.enqueue_indirect_dma source(%dma_start3A_63 : memref<1015808x64xf32, #tpu.memory_space<hbm>>) target(%dma_start3A_57 : memref<40x64xf32, #tpu.memory_space<vmem>>) offsets(%dma_start3A_60 : memref<40xi32, #tpu.memory_space<vmem>>) semaphore(%dma_start3A_65 : memref<!tpu.dma_semaphore, #tpu.memory_space<semaphore_mem>>)
    %dma_start3A_66 = arith.constant 0 : i32
    %dma_start3A_67 = arith.constant 4 : i32
    %dma_start3A_68 = arith.constant 0 : i32
    %dma_start3A_69 = arith.constant 0 : i32
    %dma_start3A_70 = arith.constant 160 : i32
    %dma_start3A_71 = arith.constant 0 : i32
    %dma_start3A_72 = tpu.memref_slice %arg8[%dma_start3A_68, %dma_start3A_70, %dma_start3A_71] : memref<2x200x64xf32, #tpu.memory_space<vmem>> -> memref<1x40x64xf32, #tpu.memory_space<vmem>>
    %dma_start3A_73 = tpu.memref_squeeze %dma_start3A_72 : memref<1x40x64xf32, #tpu.memory_space<vmem>> -> memref<40x64xf32, #tpu.memory_space<vmem>>
    %dma_start3A_74 = arith.constant 0 : i32
    %dma_start3A_75 = tpu.memref_slice %arg7[%dma_start3A_66, %dma_start3A_67, %dma_start3A_74] : memref<32x5x40xi32, #tpu.memory_space<vmem>> -> memref<1x1x40xi32, #tpu.memory_space<vmem>>
    %dma_start3A_76 = tpu.memref_squeeze %dma_start3A_75 : memref<1x1x40xi32, #tpu.memory_space<vmem>> -> memref<40xi32, #tpu.memory_space<vmem>>
    %dma_start3A_77 = arith.constant 0 : i32
    %dma_start3A_78 = arith.constant 0 : i32
    %dma_start3A_79 = tpu.memref_slice %arg4[%dma_start3A_77, %dma_start3A_78] : memref<1015808x64xf32, #tpu.memory_space<hbm>> -> memref<1015808x64xf32, #tpu.memory_space<hbm>>
    %dma_start3A_80 = tpu.memref_slice %arg12[%dma_start3A_69] : memref<2x!tpu.dma_semaphore, #tpu.memory_space<semaphore_mem>> -> memref<1x!tpu.dma_semaphore, #tpu.memory_space<semaphore_mem>>
    %dma_start3A_81 = tpu.memref_squeeze %dma_start3A_80 : memref<1x!tpu.dma_semaphore, #tpu.memory_space<semaphore_mem>> -> memref<!tpu.dma_semaphore, #tpu.memory_space<semaphore_mem>>
    tpu.enqueue_indirect_dma source(%dma_start3A_79 : memref<1015808x64xf32, #tpu.memory_space<hbm>>) target(%dma_start3A_73 : memref<40x64xf32, #tpu.memory_space<vmem>>) offsets(%dma_start3A_76 : memref<40xi32, #tpu.memory_space<vmem>>) semaphore(%dma_start3A_81 : memref<!tpu.dma_semaphore, #tpu.memory_space<semaphore_mem>>)
    %scan3A = arith.constant 0 : i32
    %scan3A_82 = arith.constant 0 : i32
    %scan3A_83 = arith.constant 32 : i32
    %scan3A_84 = arith.addi %scan3A_82, %scan3A_83 : i32
    %scan3A_85 = arith.constant 1 : i32
    scf.for %scan3A_175 = %scan3A_82 to %scan3A_84 step %scan3A_85  : i32 {
      %rem3A = arith.constant 2 : i32
      %rem3A_176 = arith.remsi %scan3A_175, %rem3A : i32
      %add3A_177 = arith.constant 1 : i32
      %add3A_178 = arith.addi %scan3A_175, %add3A_177 : i32
      %lt3A = arith.constant 32 : i32
      %lt3A_179 = arith.cmpi slt, %add3A_178, %lt3A : i32
      %convert_element_type3A = arith.extui %lt3A_179 : i1 to i32
      %cond3A = arith.constant 0 : i32
      %cond3A_180 = arith.cmpi ne, %convert_element_type3A, %cond3A : i32
      scf.if %cond3A_180 {
        %add3A_250 = arith.constant 1 : i32
        %add3A_251 = arith.addi %scan3A_175, %add3A_250 : i32
        %sub3A = arith.constant 1 : i32
        %sub3A_252 = arith.subi %sub3A, %rem3A_176 : i32
        %dma_start3A_253 = arith.constant 0 : i32
        %dma_start3A_254 = arith.constant 0 : i32
        %dma_start3A_255 = arith.constant 0 : i32
        %dma_start3A_256 = tpu.memref_slice %arg8[%sub3A_252, %dma_start3A_254, %dma_start3A_255] : memref<2x200x64xf32, #tpu.memory_space<vmem>> -> memref<1x40x64xf32, #tpu.memory_space<vmem>>
        %dma_start3A_257 = tpu.memref_squeeze %dma_start3A_256 : memref<1x40x64xf32, #tpu.memory_space<vmem>> -> memref<40x64xf32, #tpu.memory_space<vmem>>
        %dma_start3A_258 = arith.constant 0 : i32
        %dma_start3A_259 = tpu.memref_slice %arg7[%add3A_251, %dma_start3A_253, %dma_start3A_258] : memref<32x5x40xi32, #tpu.memory_space<vmem>> -> memref<1x1x40xi32, #tpu.memory_space<vmem>>
        %dma_start3A_260 = tpu.memref_squeeze %dma_start3A_259 : memref<1x1x40xi32, #tpu.memory_space<vmem>> -> memref<40xi32, #tpu.memory_space<vmem>>
        %dma_start3A_261 = arith.constant 0 : i32
        %dma_start3A_262 = arith.constant 0 : i32
        %dma_start3A_263 = tpu.memref_slice %arg4[%dma_start3A_261, %dma_start3A_262] : memref<1015808x64xf32, #tpu.memory_space<hbm>> -> memref<1015808x64xf32, #tpu.memory_space<hbm>>
        %dma_start3A_264 = tpu.memref_slice %arg12[%sub3A_252] : memref<2x!tpu.dma_semaphore, #tpu.memory_space<semaphore_mem>> -> memref<1x!tpu.dma_semaphore, #tpu.memory_space<semaphore_mem>>
        %dma_start3A_265 = tpu.memref_squeeze %dma_start3A_264 : memref<1x!tpu.dma_semaphore, #tpu.memory_space<semaphore_mem>> -> memref<!tpu.dma_semaphore, #tpu.memory_space<semaphore_mem>>
        tpu.enqueue_indirect_dma source(%dma_start3A_263 : memref<1015808x64xf32, #tpu.memory_space<hbm>>) target(%dma_start3A_257 : memref<40x64xf32, #tpu.memory_space<vmem>>) offsets(%dma_start3A_260 : memref<40xi32, #tpu.memory_space<vmem>>) semaphore(%dma_start3A_265 : memref<!tpu.dma_semaphore, #tpu.memory_space<semaphore_mem>>)
        %dma_start3A_266 = arith.constant 1 : i32
        %dma_start3A_267 = arith.constant 40 : i32
        %dma_start3A_268 = arith.constant 0 : i32
        %dma_start3A_269 = tpu.memref_slice %arg8[%sub3A_252, %dma_start3A_267, %dma_start3A_268] : memref<2x200x64xf32, #tpu.memory_space<vmem>> -> memref<1x40x64xf32, #tpu.memory_space<vmem>>
        %dma_start3A_270 = tpu.memref_squeeze %dma_start3A_269 : memref<1x40x64xf32, #tpu.memory_space<vmem>> -> memref<40x64xf32, #tpu.memory_space<vmem>>
        %dma_start3A_271 = arith.constant 0 : i32
        %dma_start3A_272 = tpu.memref_slice %arg7[%add3A_251, %dma_start3A_266, %dma_start3A_271] : memref<32x5x40xi32, #tpu.memory_space<vmem>> -> memref<1x1x40xi32, #tpu.memory_space<vmem>>
        %dma_start3A_273 = tpu.memref_squeeze %dma_start3A_272 : memref<1x1x40xi32, #tpu.memory_space<vmem>> -> memref<40xi32, #tpu.memory_space<vmem>>
        %dma_start3A_274 = arith.constant 0 : i32
        %dma_start3A_275 = arith.constant 0 : i32
        %dma_start3A_276 = tpu.memref_slice %arg4[%dma_start3A_274, %dma_start3A_275] : memref<1015808x64xf32, #tpu.memory_space<hbm>> -> memref<1015808x64xf32, #tpu.memory_space<hbm>>
        %dma_start3A_277 = tpu.memref_slice %arg12[%sub3A_252] : memref<2x!tpu.dma_semaphore, #tpu.memory_space<semaphore_mem>> -> memref<1x!tpu.dma_semaphore, #tpu.memory_space<semaphore_mem>>
        %dma_start3A_278 = tpu.memref_squeeze %dma_start3A_277 : memref<1x!tpu.dma_semaphore, #tpu.memory_space<semaphore_mem>> -> memref<!tpu.dma_semaphore, #tpu.memory_space<semaphore_mem>>
        tpu.enqueue_indirect_dma source(%dma_start3A_276 : memref<1015808x64xf32, #tpu.memory_space<hbm>>) target(%dma_start3A_270 : memref<40x64xf32, #tpu.memory_space<vmem>>) offsets(%dma_start3A_273 : memref<40xi32, #tpu.memory_space<vmem>>) semaphore(%dma_start3A_278 : memref<!tpu.dma_semaphore, #tpu.memory_space<semaphore_mem>>)
        %dma_start3A_279 = arith.constant 2 : i32
        %dma_start3A_280 = arith.constant 80 : i32
        %dma_start3A_281 = arith.constant 0 : i32
        %dma_start3A_282 = tpu.memref_slice %arg8[%sub3A_252, %dma_start3A_280, %dma_start3A_281] : memref<2x200x64xf32, #tpu.memory_space<vmem>> -> memref<1x40x64xf32, #tpu.memory_space<vmem>>
        %dma_start3A_283 = tpu.memref_squeeze %dma_start3A_282 : memref<1x40x64xf32, #tpu.memory_space<vmem>> -> memref<40x64xf32, #tpu.memory_space<vmem>>
        %dma_start3A_284 = arith.constant 0 : i32
        %dma_start3A_285 = tpu.memref_slice %arg7[%add3A_251, %dma_start3A_279, %dma_start3A_284] : memref<32x5x40xi32, #tpu.memory_space<vmem>> -> memref<1x1x40xi32, #tpu.memory_space<vmem>>
        %dma_start3A_286 = tpu.memref_squeeze %dma_start3A_285 : memref<1x1x40xi32, #tpu.memory_space<vmem>> -> memref<40xi32, #tpu.memory_space<vmem>>
        %dma_start3A_287 = arith.constant 0 : i32
        %dma_start3A_288 = arith.constant 0 : i32
        %dma_start3A_289 = tpu.memref_slice %arg4[%dma_start3A_287, %dma_start3A_288] : memref<1015808x64xf32, #tpu.memory_space<hbm>> -> memref<1015808x64xf32, #tpu.memory_space<hbm>>
        %dma_start3A_290 = tpu.memref_slice %arg12[%sub3A_252] : memref<2x!tpu.dma_semaphore, #tpu.memory_space<semaphore_mem>> -> memref<1x!tpu.dma_semaphore, #tpu.memory_space<semaphore_mem>>
        %dma_start3A_291 = tpu.memref_squeeze %dma_start3A_290 : memref<1x!tpu.dma_semaphore, #tpu.memory_space<semaphore_mem>> -> memref<!tpu.dma_semaphore, #tpu.memory_space<semaphore_mem>>
        tpu.enqueue_indirect_dma source(%dma_start3A_289 : memref<1015808x64xf32, #tpu.memory_space<hbm>>) target(%dma_start3A_283 : memref<40x64xf32, #tpu.memory_space<vmem>>) offsets(%dma_start3A_286 : memref<40xi32, #tpu.memory_space<vmem>>) semaphore(%dma_start3A_291 : memref<!tpu.dma_semaphore, #tpu.memory_space<semaphore_mem>>)
        %dma_start3A_292 = arith.constant 3 : i32
        %dma_start3A_293 = arith.constant 120 : i32
        %dma_start3A_294 = arith.constant 0 : i32
        %dma_start3A_295 = tpu.memref_slice %arg8[%sub3A_252, %dma_start3A_293, %dma_start3A_294] : memref<2x200x64xf32, #tpu.memory_space<vmem>> -> memref<1x40x64xf32, #tpu.memory_space<vmem>>
        %dma_start3A_296 = tpu.memref_squeeze %dma_start3A_295 : memref<1x40x64xf32, #tpu.memory_space<vmem>> -> memref<40x64xf32, #tpu.memory_space<vmem>>
        %dma_start3A_297 = arith.constant 0 : i32
        %dma_start3A_298 = tpu.memref_slice %arg7[%add3A_251, %dma_start3A_292, %dma_start3A_297] : memref<32x5x40xi32, #tpu.memory_space<vmem>> -> memref<1x1x40xi32, #tpu.memory_space<vmem>>
        %dma_start3A_299 = tpu.memref_squeeze %dma_start3A_298 : memref<1x1x40xi32, #tpu.memory_space<vmem>> -> memref<40xi32, #tpu.memory_space<vmem>>
        %dma_start3A_300 = arith.constant 0 : i32
        %dma_start3A_301 = arith.constant 0 : i32
        %dma_start3A_302 = tpu.memref_slice %arg4[%dma_start3A_300, %dma_start3A_301] : memref<1015808x64xf32, #tpu.memory_space<hbm>> -> memref<1015808x64xf32, #tpu.memory_space<hbm>>
        %dma_start3A_303 = tpu.memref_slice %arg12[%sub3A_252] : memref<2x!tpu.dma_semaphore, #tpu.memory_space<semaphore_mem>> -> memref<1x!tpu.dma_semaphore, #tpu.memory_space<semaphore_mem>>
        %dma_start3A_304 = tpu.memref_squeeze %dma_start3A_303 : memref<1x!tpu.dma_semaphore, #tpu.memory_space<semaphore_mem>> -> memref<!tpu.dma_semaphore, #tpu.memory_space<semaphore_mem>>
        tpu.enqueue_indirect_dma source(%dma_start3A_302 : memref<1015808x64xf32, #tpu.memory_space<hbm>>) target(%dma_start3A_296 : memref<40x64xf32, #tpu.memory_space<vmem>>) offsets(%dma_start3A_299 : memref<40xi32, #tpu.memory_space<vmem>>) semaphore(%dma_start3A_304 : memref<!tpu.dma_semaphore, #tpu.memory_space<semaphore_mem>>)
        %dma_start3A_305 = arith.constant 4 : i32
        %dma_start3A_306 = arith.constant 160 : i32
        %dma_start3A_307 = arith.constant 0 : i32
        %dma_start3A_308 = tpu.memref_slice %arg8[%sub3A_252, %dma_start3A_306, %dma_start3A_307] : memref<2x200x64xf32, #tpu.memory_space<vmem>> -> memref<1x40x64xf32, #tpu.memory_space<vmem>>
        %dma_start3A_309 = tpu.memref_squeeze %dma_start3A_308 : memref<1x40x64xf32, #tpu.memory_space<vmem>> -> memref<40x64xf32, #tpu.memory_space<vmem>>
        %dma_start3A_310 = arith.constant 0 : i32
        %dma_start3A_311 = tpu.memref_slice %arg7[%add3A_251, %dma_start3A_305, %dma_start3A_310] : memref<32x5x40xi32, #tpu.memory_space<vmem>> -> memref<1x1x40xi32, #tpu.memory_space<vmem>>
        %dma_start3A_312 = tpu.memref_squeeze %dma_start3A_311 : memref<1x1x40xi32, #tpu.memory_space<vmem>> -> memref<40xi32, #tpu.memory_space<vmem>>
        %dma_start3A_313 = arith.constant 0 : i32
        %dma_start3A_314 = arith.constant 0 : i32
        %dma_start3A_315 = tpu.memref_slice %arg4[%dma_start3A_313, %dma_start3A_314] : memref<1015808x64xf32, #tpu.memory_space<hbm>> -> memref<1015808x64xf32, #tpu.memory_space<hbm>>
        %dma_start3A_316 = tpu.memref_slice %arg12[%sub3A_252] : memref<2x!tpu.dma_semaphore, #tpu.memory_space<semaphore_mem>> -> memref<1x!tpu.dma_semaphore, #tpu.memory_space<semaphore_mem>>
        %dma_start3A_317 = tpu.memref_squeeze %dma_start3A_316 : memref<1x!tpu.dma_semaphore, #tpu.memory_space<semaphore_mem>> -> memref<!tpu.dma_semaphore, #tpu.memory_space<semaphore_mem>>
        tpu.enqueue_indirect_dma source(%dma_start3A_315 : memref<1015808x64xf32, #tpu.memory_space<hbm>>) target(%dma_start3A_309 : memref<40x64xf32, #tpu.memory_space<vmem>>) offsets(%dma_start3A_312 : memref<40xi32, #tpu.memory_space<vmem>>) semaphore(%dma_start3A_317 : memref<!tpu.dma_semaphore, #tpu.memory_space<semaphore_mem>>)
      } else {
      }
      %dma_wait3A_181 = arith.constant 0 : i32
      %dma_wait3A_182 = arith.constant 0 : i32
      %dma_wait3A_183 = tpu.memref_slice %arg8[%rem3A_176, %dma_wait3A_181, %dma_wait3A_182] : memref<2x200x64xf32, #tpu.memory_space<vmem>> -> memref<1x200x64xf32, #tpu.memory_space<vmem>>
      %dma_wait3A_184 = tpu.memref_squeeze %dma_wait3A_183 : memref<1x200x64xf32, #tpu.memory_space<vmem>> -> memref<200x64xf32, #tpu.memory_space<vmem>>
      %dma_wait3A_185 = arith.constant 0 : i32
      %dma_wait3A_186 = arith.constant 0 : i32
      %dma_wait3A_187 = tpu.memref_slice %arg4[%dma_wait3A_185, %dma_wait3A_186] : memref<1015808x64xf32, #tpu.memory_space<hbm>> -> memref<200x64xf32, #tpu.memory_space<hbm>>
      %dma_wait3A_188 = tpu.memref_slice %arg12[%rem3A_176] : memref<2x!tpu.dma_semaphore, #tpu.memory_space<semaphore_mem>> -> memref<1x!tpu.dma_semaphore, #tpu.memory_space<semaphore_mem>>
      %dma_wait3A_189 = tpu.memref_squeeze %dma_wait3A_188 : memref<1x!tpu.dma_semaphore, #tpu.memory_space<semaphore_mem>> -> memref<!tpu.dma_semaphore, #tpu.memory_space<semaphore_mem>>
      %dma_wait3A_190 = arith.constant 0 : i32
      %dma_wait3A_191 = arith.constant 0 : i32
      %dma_wait3A_192 = tpu.memref_slice %arg8[%rem3A_176, %dma_wait3A_190, %dma_wait3A_191] : memref<2x200x64xf32, #tpu.memory_space<vmem>> -> memref<1x200x64xf32, #tpu.memory_space<vmem>>
      %dma_wait3A_193 = tpu.memref_squeeze %dma_wait3A_192 : memref<1x200x64xf32, #tpu.memory_space<vmem>> -> memref<200x64xf32, #tpu.memory_space<vmem>>
      %dma_wait3A_194 = arith.constant 0 : i32
      %dma_wait3A_195 = arith.constant 0 : i32
      %dma_wait3A_196 = tpu.memref_slice %arg4[%dma_wait3A_194, %dma_wait3A_195] : memref<1015808x64xf32, #tpu.memory_space<hbm>> -> memref<200x64xf32, #tpu.memory_space<hbm>>
      tpu.wait_dma2 semaphore(%dma_wait3A_189 : memref<!tpu.dma_semaphore, #tpu.memory_space<semaphore_mem>>) src(%dma_wait3A_196 : memref<200x64xf32, #tpu.memory_space<hbm>>) dst(%dma_wait3A_193 : memref<200x64xf32, #tpu.memory_space<vmem>>)
      %broadcast_in_dim3A = arith.constant 0.000000e+00 : f32
      %broadcast_in_dim3A_197 = vector.broadcast %broadcast_in_dim3A : f32 to vector<16xf32>
      %broadcast_in_dim3A_198 = arith.constant 0.000000e+00 : f32
      %broadcast_in_dim3A_199 = vector.broadcast %broadcast_in_dim3A_198 : f32 to vector<16xf32>
      %broadcast_in_dim3A_200 = arith.constant 0.000000e+00 : f32
      %broadcast_in_dim3A_201 = vector.broadcast %broadcast_in_dim3A_200 : f32 to vector<16xf32>
      %broadcast_in_dim3A_202 = arith.constant 0.000000e+00 : f32
      %broadcast_in_dim3A_203 = vector.broadcast %broadcast_in_dim3A_202 : f32 to vector<16xf32>
      %scan3A_204 = arith.constant 0 : i32
      %scan3A_205 = arith.constant 50 : i32
      %scan3A_206 = arith.addi %scan3A_204, %scan3A_205 : i32
      %scan3A_207 = arith.constant 1 : i32
      %scan3A_208:4 = scf.for %scan3A_250 = %scan3A_204 to %scan3A_206 step %scan3A_207 iter_args(%scan3A_251 = %broadcast_in_dim3A_197, %scan3A_252 = %broadcast_in_dim3A_199, %scan3A_253 = %broadcast_in_dim3A_201, %scan3A_254 = %broadcast_in_dim3A_203) -> (vector<16xf32>, vector<16xf32>, vector<16xf32>, vector<16xf32>)  : i32 {
        %mul3A_255 = arith.constant 4 : i32
        %mul3A_256 = arith.muli %mul3A_255, %scan3A_250 : i32
        %add3A_257 = arith.constant 0 : i32
        %add3A_258 = arith.addi %mul3A_256, %add3A_257 : i32
        %get3A = arith.constant 0 : i32
        %get3A_259 = arith.constant 0 : i32
        %get3A_260 = tpu.memref_slice %arg8[%rem3A_176, %get3A, %get3A_259] : memref<2x200x64xf32, #tpu.memory_space<vmem>> -> memref<1x200x64xf32, #tpu.memory_space<vmem>>
        %get3A_261 = tpu.memref_squeeze %get3A_260 : memref<1x200x64xf32, #tpu.memory_space<vmem>> -> memref<200x64xf32, #tpu.memory_space<vmem>>
        %get3A_262 = arith.index_cast %add3A_258 : i32 to index
        %get3A_263 = arith.constant 0 : index
        %get3A_264 = tpu.vector_load %get3A_261[%get3A_262, %get3A_263] {strides = array<i32>} : memref<200x64xf32, #tpu.memory_space<vmem>>, vector<1x16xf32>,
        %get3A_265 = vector.shape_cast %get3A_264 : vector<1x16xf32> to vector<16xf32>
        %add3A_266 = arith.addf %scan3A_251, %get3A_265 : vector<16xf32>
        %mul3A_267 = arith.constant 4 : i32
        %mul3A_268 = arith.muli %mul3A_267, %scan3A_250 : i32
        %add3A_269 = arith.constant 1 : i32
        %add3A_270 = arith.addi %mul3A_268, %add3A_269 : i32
        %get3A_271 = arith.constant 0 : i32
        %get3A_272 = arith.constant 0 : i32
        %get3A_273 = tpu.memref_slice %arg8[%rem3A_176, %get3A_271, %get3A_272] : memref<2x200x64xf32, #tpu.memory_space<vmem>> -> memref<1x200x64xf32, #tpu.memory_space<vmem>>
        %get3A_274 = tpu.memref_squeeze %get3A_273 : memref<1x200x64xf32, #tpu.memory_space<vmem>> -> memref<200x64xf32, #tpu.memory_space<vmem>>
        %get3A_275 = arith.index_cast %add3A_270 : i32 to index
        %get3A_276 = arith.constant 0 : index
        %get3A_277 = tpu.vector_load %get3A_274[%get3A_275, %get3A_276] {strides = array<i32>} : memref<200x64xf32, #tpu.memory_space<vmem>>, vector<1x16xf32>,
        %get3A_278 = vector.shape_cast %get3A_277 : vector<1x16xf32> to vector<16xf32>
        %add3A_279 = arith.addf %add3A_266, %get3A_278 : vector<16xf32>
        %mul3A_280 = arith.constant 4 : i32
        %mul3A_281 = arith.muli %mul3A_280, %scan3A_250 : i32
        %add3A_282 = arith.constant 2 : i32
        %add3A_283 = arith.addi %mul3A_281, %add3A_282 : i32
        %get3A_284 = arith.constant 0 : i32
        %get3A_285 = arith.constant 0 : i32
        %get3A_286 = tpu.memref_slice %arg8[%rem3A_176, %get3A_284, %get3A_285] : memref<2x200x64xf32, #tpu.memory_space<vmem>> -> memref<1x200x64xf32, #tpu.memory_space<vmem>>
        %get3A_287 = tpu.memref_squeeze %get3A_286 : memref<1x200x64xf32, #tpu.memory_space<vmem>> -> memref<200x64xf32, #tpu.memory_space<vmem>>
        %get3A_288 = arith.index_cast %add3A_283 : i32 to index
        %get3A_289 = arith.constant 0 : index
        %get3A_290 = tpu.vector_load %get3A_287[%get3A_288, %get3A_289] {strides = array<i32>} : memref<200x64xf32, #tpu.memory_space<vmem>>, vector<1x16xf32>,
        %get3A_291 = vector.shape_cast %get3A_290 : vector<1x16xf32> to vector<16xf32>
        %add3A_292 = arith.addf %add3A_279, %get3A_291 : vector<16xf32>
        %mul3A_293 = arith.constant 4 : i32
        %mul3A_294 = arith.muli %mul3A_293, %scan3A_250 : i32
        %add3A_295 = arith.constant 3 : i32
        %add3A_296 = arith.addi %mul3A_294, %add3A_295 : i32
        %get3A_297 = arith.constant 0 : i32
        %get3A_298 = arith.constant 0 : i32
        %get3A_299 = tpu.memref_slice %arg8[%rem3A_176, %get3A_297, %get3A_298] : memref<2x200x64xf32, #tpu.memory_space<vmem>> -> memref<1x200x64xf32, #tpu.memory_space<vmem>>
        %get3A_300 = tpu.memref_squeeze %get3A_299 : memref<1x200x64xf32, #tpu.memory_space<vmem>> -> memref<200x64xf32, #tpu.memory_space<vmem>>
        %get3A_301 = arith.index_cast %add3A_296 : i32 to index
        %get3A_302 = arith.constant 0 : index
        %get3A_303 = tpu.vector_load %get3A_300[%get3A_301, %get3A_302] {strides = array<i32>} : memref<200x64xf32, #tpu.memory_space<vmem>>, vector<1x16xf32>,
        %get3A_304 = vector.shape_cast %get3A_303 : vector<1x16xf32> to vector<16xf32>
        %add3A_305 = arith.addf %add3A_292, %get3A_304 : vector<16xf32>
        %mul3A_306 = arith.constant 4 : i32
        %mul3A_307 = arith.muli %mul3A_306, %scan3A_250 : i32
        %add3A_308 = arith.constant 0 : i32
        %add3A_309 = arith.addi %mul3A_307, %add3A_308 : i32
        %get3A_310 = arith.constant 0 : i32
        %get3A_311 = arith.constant 0 : i32
        %get3A_312 = tpu.memref_slice %arg8[%rem3A_176, %get3A_310, %get3A_311] : memref<2x200x64xf32, #tpu.memory_space<vmem>> -> memref<1x200x64xf32, #tpu.memory_space<vmem>>
        %get3A_313 = tpu.memref_squeeze %get3A_312 : memref<1x200x64xf32, #tpu.memory_space<vmem>> -> memref<200x64xf32, #tpu.memory_space<vmem>>
        %get3A_314 = arith.index_cast %add3A_309 : i32 to index
        %get3A_315 = arith.constant 16 : index
        %get3A_316 = tpu.vector_load %get3A_313[%get3A_314, %get3A_315] {strides = array<i32>} : memref<200x64xf32, #tpu.memory_space<vmem>>, vector<1x16xf32>,
        %get3A_317 = vector.shape_cast %get3A_316 : vector<1x16xf32> to vector<16xf32>
        %add3A_318 = arith.addf %scan3A_252, %get3A_317 : vector<16xf32>
        %mul3A_319 = arith.constant 4 : i32
        %mul3A_320 = arith.muli %mul3A_319, %scan3A_250 : i32
        %add3A_321 = arith.constant 1 : i32
        %add3A_322 = arith.addi %mul3A_320, %add3A_321 : i32
        %get3A_323 = arith.constant 0 : i32
        %get3A_324 = arith.constant 0 : i32
        %get3A_325 = tpu.memref_slice %arg8[%rem3A_176, %get3A_323, %get3A_324] : memref<2x200x64xf32, #tpu.memory_space<vmem>> -> memref<1x200x64xf32, #tpu.memory_space<vmem>>
        %get3A_326 = tpu.memref_squeeze %get3A_325 : memref<1x200x64xf32, #tpu.memory_space<vmem>> -> memref<200x64xf32, #tpu.memory_space<vmem>>
        %get3A_327 = arith.index_cast %add3A_322 : i32 to index
        %get3A_328 = arith.constant 16 : index
        %get3A_329 = tpu.vector_load %get3A_326[%get3A_327, %get3A_328] {strides = array<i32>} : memref<200x64xf32, #tpu.memory_space<vmem>>, vector<1x16xf32>,
        %get3A_330 = vector.shape_cast %get3A_329 : vector<1x16xf32> to vector<16xf32>
        %add3A_331 = arith.addf %add3A_318, %get3A_330 : vector<16xf32>
        %mul3A_332 = arith.constant 4 : i32
        %mul3A_333 = arith.muli %mul3A_332, %scan3A_250 : i32
        %add3A_334 = arith.constant 2 : i32
        %add3A_335 = arith.addi %mul3A_333, %add3A_334 : i32
        %get3A_336 = arith.constant 0 : i32
        %get3A_337 = arith.constant 0 : i32
        %get3A_338 = tpu.memref_slice %arg8[%rem3A_176, %get3A_336, %get3A_337] : memref<2x200x64xf32, #tpu.memory_space<vmem>> -> memref<1x200x64xf32, #tpu.memory_space<vmem>>
        %get3A_339 = tpu.memref_squeeze %get3A_338 : memref<1x200x64xf32, #tpu.memory_space<vmem>> -> memref<200x64xf32, #tpu.memory_space<vmem>>
        %get3A_340 = arith.index_cast %add3A_335 : i32 to index
        %get3A_341 = arith.constant 16 : index
        %get3A_342 = tpu.vector_load %get3A_339[%get3A_340, %get3A_341] {strides = array<i32>} : memref<200x64xf32, #tpu.memory_space<vmem>>, vector<1x16xf32>,
        %get3A_343 = vector.shape_cast %get3A_342 : vector<1x16xf32> to vector<16xf32>
        %add3A_344 = arith.addf %add3A_331, %get3A_343 : vector<16xf32>
        %mul3A_345 = arith.constant 4 : i32
        %mul3A_346 = arith.muli %mul3A_345, %scan3A_250 : i32
        %add3A_347 = arith.constant 3 : i32
        %add3A_348 = arith.addi %mul3A_346, %add3A_347 : i32
        %get3A_349 = arith.constant 0 : i32
        %get3A_350 = arith.constant 0 : i32
        %get3A_351 = tpu.memref_slice %arg8[%rem3A_176, %get3A_349, %get3A_350] : memref<2x200x64xf32, #tpu.memory_space<vmem>> -> memref<1x200x64xf32, #tpu.memory_space<vmem>>
        %get3A_352 = tpu.memref_squeeze %get3A_351 : memref<1x200x64xf32, #tpu.memory_space<vmem>> -> memref<200x64xf32, #tpu.memory_space<vmem>>
        %get3A_353 = arith.index_cast %add3A_348 : i32 to index
        %get3A_354 = arith.constant 16 : index
        %get3A_355 = tpu.vector_load %get3A_352[%get3A_353, %get3A_354] {strides = array<i32>} : memref<200x64xf32, #tpu.memory_space<vmem>>, vector<1x16xf32>,
        %get3A_356 = vector.shape_cast %get3A_355 : vector<1x16xf32> to vector<16xf32>
        %add3A_357 = arith.addf %add3A_344, %get3A_356 : vector<16xf32>
        %mul3A_358 = arith.constant 4 : i32
        %mul3A_359 = arith.muli %mul3A_358, %scan3A_250 : i32
        %add3A_360 = arith.constant 0 : i32
        %add3A_361 = arith.addi %mul3A_359, %add3A_360 : i32
        %get3A_362 = arith.constant 0 : i32
        %get3A_363 = arith.constant 0 : i32
        %get3A_364 = tpu.memref_slice %arg8[%rem3A_176, %get3A_362, %get3A_363] : memref<2x200x64xf32, #tpu.memory_space<vmem>> -> memref<1x200x64xf32, #tpu.memory_space<vmem>>
        %get3A_365 = tpu.memref_squeeze %get3A_364 : memref<1x200x64xf32, #tpu.memory_space<vmem>> -> memref<200x64xf32, #tpu.memory_space<vmem>>
        %get3A_366 = arith.index_cast %add3A_361 : i32 to index
        %get3A_367 = arith.constant 32 : index
        %get3A_368 = tpu.vector_load %get3A_365[%get3A_366, %get3A_367] {strides = array<i32>} : memref<200x64xf32, #tpu.memory_space<vmem>>, vector<1x16xf32>,
        %get3A_369 = vector.shape_cast %get3A_368 : vector<1x16xf32> to vector<16xf32>
        %add3A_370 = arith.addf %scan3A_253, %get3A_369 : vector<16xf32>
        %mul3A_371 = arith.constant 4 : i32
        %mul3A_372 = arith.muli %mul3A_371, %scan3A_250 : i32
        %add3A_373 = arith.constant 1 : i32
        %add3A_374 = arith.addi %mul3A_372, %add3A_373 : i32
        %get3A_375 = arith.constant 0 : i32
        %get3A_376 = arith.constant 0 : i32
        %get3A_377 = tpu.memref_slice %arg8[%rem3A_176, %get3A_375, %get3A_376] : memref<2x200x64xf32, #tpu.memory_space<vmem>> -> memref<1x200x64xf32, #tpu.memory_space<vmem>>
        %get3A_378 = tpu.memref_squeeze %get3A_377 : memref<1x200x64xf32, #tpu.memory_space<vmem>> -> memref<200x64xf32, #tpu.memory_space<vmem>>
        %get3A_379 = arith.index_cast %add3A_374 : i32 to index
        %get3A_380 = arith.constant 32 : index
        %get3A_381 = tpu.vector_load %get3A_378[%get3A_379, %get3A_380] {strides = array<i32>} : memref<200x64xf32, #tpu.memory_space<vmem>>, vector<1x16xf32>,
        %get3A_382 = vector.shape_cast %get3A_381 : vector<1x16xf32> to vector<16xf32>
        %add3A_383 = arith.addf %add3A_370, %get3A_382 : vector<16xf32>
        %mul3A_384 = arith.constant 4 : i32
        %mul3A_385 = arith.muli %mul3A_384, %scan3A_250 : i32
        %add3A_386 = arith.constant 2 : i32
        %add3A_387 = arith.addi %mul3A_385, %add3A_386 : i32
        %get3A_388 = arith.constant 0 : i32
        %get3A_389 = arith.constant 0 : i32
        %get3A_390 = tpu.memref_slice %arg8[%rem3A_176, %get3A_388, %get3A_389] : memref<2x200x64xf32, #tpu.memory_space<vmem>> -> memref<1x200x64xf32, #tpu.memory_space<vmem>>
        %get3A_391 = tpu.memref_squeeze %get3A_390 : memref<1x200x64xf32, #tpu.memory_space<vmem>> -> memref<200x64xf32, #tpu.memory_space<vmem>>
        %get3A_392 = arith.index_cast %add3A_387 : i32 to index
        %get3A_393 = arith.constant 32 : index
        %get3A_394 = tpu.vector_load %get3A_391[%get3A_392, %get3A_393] {strides = array<i32>} : memref<200x64xf32, #tpu.memory_space<vmem>>, vector<1x16xf32>,
        %get3A_395 = vector.shape_cast %get3A_394 : vector<1x16xf32> to vector<16xf32>
        %add3A_396 = arith.addf %add3A_383, %get3A_395 : vector<16xf32>
        %mul3A_397 = arith.constant 4 : i32
        %mul3A_398 = arith.muli %mul3A_397, %scan3A_250 : i32
        %add3A_399 = arith.constant 3 : i32
        %add3A_400 = arith.addi %mul3A_398, %add3A_399 : i32
        %get3A_401 = arith.constant 0 : i32
        %get3A_402 = arith.constant 0 : i32
        %get3A_403 = tpu.memref_slice %arg8[%rem3A_176, %get3A_401, %get3A_402] : memref<2x200x64xf32, #tpu.memory_space<vmem>> -> memref<1x200x64xf32, #tpu.memory_space<vmem>>
        %get3A_404 = tpu.memref_squeeze %get3A_403 : memref<1x200x64xf32, #tpu.memory_space<vmem>> -> memref<200x64xf32, #tpu.memory_space<vmem>>
        %get3A_405 = arith.index_cast %add3A_400 : i32 to index
        %get3A_406 = arith.constant 32 : index
        %get3A_407 = tpu.vector_load %get3A_404[%get3A_405, %get3A_406] {strides = array<i32>} : memref<200x64xf32, #tpu.memory_space<vmem>>, vector<1x16xf32>,
        %get3A_408 = vector.shape_cast %get3A_407 : vector<1x16xf32> to vector<16xf32>
        %add3A_409 = arith.addf %add3A_396, %get3A_408 : vector<16xf32>
        %mul3A_410 = arith.constant 4 : i32
        %mul3A_411 = arith.muli %mul3A_410, %scan3A_250 : i32
        %add3A_412 = arith.constant 0 : i32
        %add3A_413 = arith.addi %mul3A_411, %add3A_412 : i32
        %get3A_414 = arith.constant 0 : i32
        %get3A_415 = arith.constant 0 : i32
        %get3A_416 = tpu.memref_slice %arg8[%rem3A_176, %get3A_414, %get3A_415] : memref<2x200x64xf32, #tpu.memory_space<vmem>> -> memref<1x200x64xf32, #tpu.memory_space<vmem>>
        %get3A_417 = tpu.memref_squeeze %get3A_416 : memref<1x200x64xf32, #tpu.memory_space<vmem>> -> memref<200x64xf32, #tpu.memory_space<vmem>>
        %get3A_418 = arith.index_cast %add3A_413 : i32 to index
        %get3A_419 = arith.constant 48 : index
        %get3A_420 = tpu.vector_load %get3A_417[%get3A_418, %get3A_419] {strides = array<i32>} : memref<200x64xf32, #tpu.memory_space<vmem>>, vector<1x16xf32>,
        %get3A_421 = vector.shape_cast %get3A_420 : vector<1x16xf32> to vector<16xf32>
        %add3A_422 = arith.addf %scan3A_254, %get3A_421 : vector<16xf32>
        %mul3A_423 = arith.constant 4 : i32
        %mul3A_424 = arith.muli %mul3A_423, %scan3A_250 : i32
        %add3A_425 = arith.constant 1 : i32
        %add3A_426 = arith.addi %mul3A_424, %add3A_425 : i32
        %get3A_427 = arith.constant 0 : i32
        %get3A_428 = arith.constant 0 : i32
        %get3A_429 = tpu.memref_slice %arg8[%rem3A_176, %get3A_427, %get3A_428] : memref<2x200x64xf32, #tpu.memory_space<vmem>> -> memref<1x200x64xf32, #tpu.memory_space<vmem>>
        %get3A_430 = tpu.memref_squeeze %get3A_429 : memref<1x200x64xf32, #tpu.memory_space<vmem>> -> memref<200x64xf32, #tpu.memory_space<vmem>>
        %get3A_431 = arith.index_cast %add3A_426 : i32 to index
        %get3A_432 = arith.constant 48 : index
        %get3A_433 = tpu.vector_load %get3A_430[%get3A_431, %get3A_432] {strides = array<i32>} : memref<200x64xf32, #tpu.memory_space<vmem>>, vector<1x16xf32>,
        %get3A_434 = vector.shape_cast %get3A_433 : vector<1x16xf32> to vector<16xf32>
        %add3A_435 = arith.addf %add3A_422, %get3A_434 : vector<16xf32>
        %mul3A_436 = arith.constant 4 : i32
        %mul3A_437 = arith.muli %mul3A_436, %scan3A_250 : i32
        %add3A_438 = arith.constant 2 : i32
        %add3A_439 = arith.addi %mul3A_437, %add3A_438 : i32
        %get3A_440 = arith.constant 0 : i32
        %get3A_441 = arith.constant 0 : i32
        %get3A_442 = tpu.memref_slice %arg8[%rem3A_176, %get3A_440, %get3A_441] : memref<2x200x64xf32, #tpu.memory_space<vmem>> -> memref<1x200x64xf32, #tpu.memory_space<vmem>>
        %get3A_443 = tpu.memref_squeeze %get3A_442 : memref<1x200x64xf32, #tpu.memory_space<vmem>> -> memref<200x64xf32, #tpu.memory_space<vmem>>
        %get3A_444 = arith.index_cast %add3A_439 : i32 to index
        %get3A_445 = arith.constant 48 : index
        %get3A_446 = tpu.vector_load %get3A_443[%get3A_444, %get3A_445] {strides = array<i32>} : memref<200x64xf32, #tpu.memory_space<vmem>>, vector<1x16xf32>,
        %get3A_447 = vector.shape_cast %get3A_446 : vector<1x16xf32> to vector<16xf32>
        %add3A_448 = arith.addf %add3A_435, %get3A_447 : vector<16xf32>
        %mul3A_449 = arith.constant 4 : i32
        %mul3A_450 = arith.muli %mul3A_449, %scan3A_250 : i32
        %add3A_451 = arith.constant 3 : i32
        %add3A_452 = arith.addi %mul3A_450, %add3A_451 : i32
        %get3A_453 = arith.constant 0 : i32
        %get3A_454 = arith.constant 0 : i32
        %get3A_455 = tpu.memref_slice %arg8[%rem3A_176, %get3A_453, %get3A_454] : memref<2x200x64xf32, #tpu.memory_space<vmem>> -> memref<1x200x64xf32, #tpu.memory_space<vmem>>
        %get3A_456 = tpu.memref_squeeze %get3A_455 : memref<1x200x64xf32, #tpu.memory_space<vmem>> -> memref<200x64xf32, #tpu.memory_space<vmem>>
        %get3A_457 = arith.index_cast %add3A_452 : i32 to index
        %get3A_458 = arith.constant 48 : index
        %get3A_459 = tpu.vector_load %get3A_456[%get3A_457, %get3A_458] {strides = array<i32>} : memref<200x64xf32, #tpu.memory_space<vmem>>, vector<1x16xf32>,
        %get3A_460 = vector.shape_cast %get3A_459 : vector<1x16xf32> to vector<16xf32>
        %add3A_461 = arith.addf %add3A_448, %get3A_460 : vector<16xf32>
        scf.yield %add3A_305, %add3A_357, %add3A_409, %add3A_461 : vector<16xf32>, vector<16xf32>, vector<16xf32>, vector<16xf32>
      }
      %scan3A_209 = arith.constant 50 : i32
      %mul3A_210 = arith.constant 32 : i32
      %mul3A_211 = arith.muli %add3A, %mul3A_210 : i32
      %add3A_212 = arith.addi %mul3A_211, %scan3A_175 : i32
      %ge3A = arith.constant 2 : i32
      %ge3A_213 = arith.cmpi sge, %scan3A_175, %ge3A : i32
      %convert_element_type3A_214 = arith.extui %ge3A_213 : i1 to i32
      %cond3A_215 = arith.constant 0 : i32
      %cond3A_216 = arith.cmpi ne, %convert_element_type3A_214, %cond3A_215 : i32
      scf.if %cond3A_216 {
        %dma_wait3A_250 = arith.constant 0 : i32
        %dma_wait3A_251 = tpu.memref_slice %arg9[%rem3A_176, %dma_wait3A_250] : memref<2x64xf32, #tpu.memory_space<vmem>> -> memref<1x64xf32, #tpu.memory_space<vmem>>
        %dma_wait3A_252 = tpu.memref_squeeze %dma_wait3A_251 : memref<1x64xf32, #tpu.memory_space<vmem>> -> memref<64xf32, #tpu.memory_space<vmem>>
        %dma_wait3A_253 = arith.constant 0 : i32
        %dma_wait3A_254 = tpu.memref_slice %arg5[%add3A_212, %dma_wait3A_253] : memref<1024x64xf32, #tpu.memory_space<hbm>> -> memref<1x64xf32, #tpu.memory_space<hbm>>
        %dma_wait3A_255 = tpu.memref_squeeze %dma_wait3A_254 : memref<1x64xf32, #tpu.memory_space<hbm>> -> memref<64xf32, #tpu.memory_space<hbm>>
        %dma_wait3A_256 = tpu.memref_slice %arg13[%rem3A_176] : memref<2x!tpu.dma_semaphore, #tpu.memory_space<semaphore_mem>> -> memref<1x!tpu.dma_semaphore, #tpu.memory_space<semaphore_mem>>
        %dma_wait3A_257 = tpu.memref_squeeze %dma_wait3A_256 : memref<1x!tpu.dma_semaphore, #tpu.memory_space<semaphore_mem>> -> memref<!tpu.dma_semaphore, #tpu.memory_space<semaphore_mem>>
        %dma_wait3A_258 = arith.constant 0 : i32
        %dma_wait3A_259 = tpu.memref_slice %arg5[%add3A_212, %dma_wait3A_258] : memref<1024x64xf32, #tpu.memory_space<hbm>> -> memref<1x64xf32, #tpu.memory_space<hbm>>
        %dma_wait3A_260 = tpu.memref_squeeze %dma_wait3A_259 : memref<1x64xf32, #tpu.memory_space<hbm>> -> memref<64xf32, #tpu.memory_space<hbm>>
        %dma_wait3A_261 = arith.constant 0 : i32
        %dma_wait3A_262 = tpu.memref_slice %arg9[%rem3A_176, %dma_wait3A_261] : memref<2x64xf32, #tpu.memory_space<vmem>> -> memref<1x64xf32, #tpu.memory_space<vmem>>
        %dma_wait3A_263 = tpu.memref_squeeze %dma_wait3A_262 : memref<1x64xf32, #tpu.memory_space<vmem>> -> memref<64xf32, #tpu.memory_space<vmem>>
        tpu.wait_dma2 semaphore(%dma_wait3A_257 : memref<!tpu.dma_semaphore, #tpu.memory_space<semaphore_mem>>) src(%dma_wait3A_263 : memref<64xf32, #tpu.memory_space<vmem>>) dst(%dma_wait3A_260 : memref<64xf32, #tpu.memory_space<hbm>>)
      } else {
      }
      %swap3A = arith.index_cast %rem3A_176 : i32 to index
      %swap3A_217 = arith.constant 0 : index
      %swap3A_218 = tpu.vector_load %arg9[%swap3A, %swap3A_217] {strides = array<i32>} : memref<2x64xf32, #tpu.memory_space<vmem>>, vector<1x16xf32>,
      %swap3A_219 = vector.shape_cast %swap3A_218 : vector<1x16xf32> to vector<16xf32>
      %swap3A_220 = vector.shape_cast %scan3A_208#0 : vector<16xf32> to vector<1x16xf32>
      tpu.vector_store %arg9[%swap3A, %swap3A_217], %swap3A_220 {strides = array<i32>} : memref<2x64xf32, #tpu.memory_space<vmem>>, vector<1x16xf32>,
      %swap3A_221 = arith.index_cast %rem3A_176 : i32 to index
      %swap3A_222 = arith.constant 16 : index
      %swap3A_223 = tpu.vector_load %arg9[%swap3A_221, %swap3A_222] {strides = array<i32>} : memref<2x64xf32, #tpu.memory_space<vmem>>, vector<1x16xf32>,
      %swap3A_224 = vector.shape_cast %swap3A_223 : vector<1x16xf32> to vector<16xf32>
      %swap3A_225 = vector.shape_cast %scan3A_208#1 : vector<16xf32> to vector<1x16xf32>
      tpu.vector_store %arg9[%swap3A_221, %swap3A_222], %swap3A_225 {strides = array<i32>} : memref<2x64xf32, #tpu.memory_space<vmem>>, vector<1x16xf32>,
      %swap3A_226 = arith.index_cast %rem3A_176 : i32 to index
      %swap3A_227 = arith.constant 32 : index
      %swap3A_228 = tpu.vector_load %arg9[%swap3A_226, %swap3A_227] {strides = array<i32>} : memref<2x64xf32, #tpu.memory_space<vmem>>, vector<1x16xf32>,
      %swap3A_229 = vector.shape_cast %swap3A_228 : vector<1x16xf32> to vector<16xf32>
      %swap3A_230 = vector.shape_cast %scan3A_208#2 : vector<16xf32> to vector<1x16xf32>
      tpu.vector_store %arg9[%swap3A_226, %swap3A_227], %swap3A_230 {strides = array<i32>} : memref<2x64xf32, #tpu.memory_space<vmem>>, vector<1x16xf32>,
      %swap3A_231 = arith.index_cast %rem3A_176 : i32 to index
      %swap3A_232 = arith.constant 48 : index
      %swap3A_233 = tpu.vector_load %arg9[%swap3A_231, %swap3A_232] {strides = array<i32>} : memref<2x64xf32, #tpu.memory_space<vmem>>, vector<1x16xf32>,
      %swap3A_234 = vector.shape_cast %swap3A_233 : vector<1x16xf32> to vector<16xf32>
      %swap3A_235 = vector.shape_cast %scan3A_208#3 : vector<16xf32> to vector<1x16xf32>
      tpu.vector_store %arg9[%swap3A_231, %swap3A_232], %swap3A_235 {strides = array<i32>} : memref<2x64xf32, #tpu.memory_space<vmem>>, vector<1x16xf32>,
      %dma_start3A_236 = arith.constant 0 : i32
      %dma_start3A_237 = tpu.memref_slice %arg9[%rem3A_176, %dma_start3A_236] : memref<2x64xf32, #tpu.memory_space<vmem>> -> memref<1x64xf32, #tpu.memory_space<vmem>>
      %dma_start3A_238 = tpu.memref_squeeze %dma_start3A_237 : memref<1x64xf32, #tpu.memory_space<vmem>> -> memref<64xf32, #tpu.memory_space<vmem>>
      %dma_start3A_239 = arith.constant 0 : i32
      %dma_start3A_240 = tpu.memref_slice %arg5[%add3A_212, %dma_start3A_239] : memref<1024x64xf32, #tpu.memory_space<hbm>> -> memref<1x64xf32, #tpu.memory_space<hbm>>
      %dma_start3A_241 = tpu.memref_squeeze %dma_start3A_240 : memref<1x64xf32, #tpu.memory_space<hbm>> -> memref<64xf32, #tpu.memory_space<hbm>>
      %dma_start3A_242 = tpu.memref_slice %arg13[%rem3A_176] : memref<2x!tpu.dma_semaphore, #tpu.memory_space<semaphore_mem>> -> memref<1x!tpu.dma_semaphore, #tpu.memory_space<semaphore_mem>>
      %dma_start3A_243 = tpu.memref_squeeze %dma_start3A_242 : memref<1x!tpu.dma_semaphore, #tpu.memory_space<semaphore_mem>> -> memref<!tpu.dma_semaphore, #tpu.memory_space<semaphore_mem>>
      %dma_start3A_244 = arith.constant 0 : i32
      %dma_start3A_245 = tpu.memref_slice %arg5[%add3A_212, %dma_start3A_244] : memref<1024x64xf32, #tpu.memory_space<hbm>> -> memref<1x64xf32, #tpu.memory_space<hbm>>
      %dma_start3A_246 = tpu.memref_squeeze %dma_start3A_245 : memref<1x64xf32, #tpu.memory_space<hbm>> -> memref<64xf32, #tpu.memory_space<hbm>>
      %dma_start3A_247 = arith.constant 0 : i32
      %dma_start3A_248 = tpu.memref_slice %arg9[%rem3A_176, %dma_start3A_247] : memref<2x64xf32, #tpu.memory_space<vmem>> -> memref<1x64xf32, #tpu.memory_space<vmem>>
      %dma_start3A_249 = tpu.memref_squeeze %dma_start3A_248 : memref<1x64xf32, #tpu.memory_space<vmem>> -> memref<64xf32, #tpu.memory_space<vmem>>
      tpu.enqueue_dma source(%dma_start3A_249 : memref<64xf32, #tpu.memory_space<vmem>>) target(%dma_start3A_246 : memref<64xf32, #tpu.memory_space<hbm>>) target_semaphore(%dma_start3A_243 : memref<!tpu.dma_semaphore, #tpu.memory_space<semaphore_mem>>)
    }
    %scan3A_86 = arith.constant 32 : i32
    %mul3A_87 = arith.constant 1600 : i32
    %mul3A_88 = arith.muli %add3A, %mul3A_87 : i32
    %dma_start3A_89 = arith.constant 0 : i32
    %dma_start3A_90 = arith.constant 0 : i32
    %dma_start3A_91 = arith.constant 0 : i32
    %dma_start3A_92 = arith.constant 0 : i32
    %dma_start3A_93 = arith.constant 0 : i32
    %dma_start3A_94 = tpu.memref_slice %arg11[%dma_start3A_90, %dma_start3A_92, %dma_start3A_93] : memref<2x80x64xf32, #tpu.memory_space<vmem>> -> memref<1x80x64xf32, #tpu.memory_space<vmem>>
    %dma_start3A_95 = tpu.memref_squeeze %dma_start3A_94 : memref<1x80x64xf32, #tpu.memory_space<vmem>> -> memref<80x64xf32, #tpu.memory_space<vmem>>
    %dma_start3A_96 = arith.constant 0 : i32
    %dma_start3A_97 = tpu.memref_slice %arg10[%dma_start3A_89, %dma_start3A_96] : memref<20x80xi32, #tpu.memory_space<vmem>> -> memref<1x80xi32, #tpu.memory_space<vmem>>
    %dma_start3A_98 = tpu.memref_squeeze %dma_start3A_97 : memref<1x80xi32, #tpu.memory_space<vmem>> -> memref<80xi32, #tpu.memory_space<vmem>>
    %dma_start3A_99 = arith.constant 0 : i32
    %dma_start3A_100 = arith.constant 0 : i32
    %dma_start3A_101 = tpu.memref_slice %arg4[%dma_start3A_99, %dma_start3A_100] : memref<1015808x64xf32, #tpu.memory_space<hbm>> -> memref<1015808x64xf32, #tpu.memory_space<hbm>>
    %dma_start3A_102 = tpu.memref_slice %arg14[%dma_start3A_91] : memref<2x!tpu.dma_semaphore, #tpu.memory_space<semaphore_mem>> -> memref<1x!tpu.dma_semaphore, #tpu.memory_space<semaphore_mem>>
    %dma_start3A_103 = tpu.memref_squeeze %dma_start3A_102 : memref<1x!tpu.dma_semaphore, #tpu.memory_space<semaphore_mem>> -> memref<!tpu.dma_semaphore, #tpu.memory_space<semaphore_mem>>
    tpu.enqueue_indirect_dma source(%dma_start3A_101 : memref<1015808x64xf32, #tpu.memory_space<hbm>>) target(%dma_start3A_95 : memref<80x64xf32, #tpu.memory_space<vmem>>) offsets(%dma_start3A_98 : memref<80xi32, #tpu.memory_space<vmem>>) semaphore(%dma_start3A_103 : memref<!tpu.dma_semaphore, #tpu.memory_space<semaphore_mem>>)
    %scan3A_104 = arith.constant 0 : i32
    %scan3A_105 = arith.constant 0 : i32
    %scan3A_106 = arith.constant 20 : i32
    %scan3A_107 = arith.addi %scan3A_105, %scan3A_106 : i32
    %scan3A_108 = arith.constant 1 : i32
    scf.for %scan3A_175 = %scan3A_105 to %scan3A_107 step %scan3A_108  : i32 {
      %rem3A = arith.constant 2 : i32
      %rem3A_176 = arith.remsi %scan3A_175, %rem3A : i32
      %add3A_177 = arith.constant 1 : i32
      %add3A_178 = arith.addi %scan3A_175, %add3A_177 : i32
      %lt3A = arith.constant 20 : i32
      %lt3A_179 = arith.cmpi slt, %add3A_178, %lt3A : i32
      %convert_element_type3A = arith.extui %lt3A_179 : i1 to i32
      %cond3A = arith.constant 0 : i32
      %cond3A_180 = arith.cmpi ne, %convert_element_type3A, %cond3A : i32
      scf.if %cond3A_180 {
        %ge3A = arith.constant 1 : i32
        %ge3A_214 = arith.cmpi sge, %scan3A_175, %ge3A : i32
        %convert_element_type3A_215 = arith.extui %ge3A_214 : i1 to i32
        %cond3A_216 = arith.constant 0 : i32
        %cond3A_217 = arith.cmpi ne, %convert_element_type3A_215, %cond3A_216 : i32
        scf.if %cond3A_217 {
          %sub3A_233 = arith.constant 1 : i32
          %sub3A_234 = arith.subi %sub3A_233, %rem3A_176 : i32
          %sub3A_235 = arith.constant 1 : i32
          %sub3A_236 = arith.subi %sub3A_235, %rem3A_176 : i32
          %dma_wait3A_237 = arith.constant 0 : i32
          %dma_wait3A_238 = arith.constant 0 : i32
          %dma_wait3A_239 = tpu.memref_slice %arg11[%sub3A_234, %dma_wait3A_237, %dma_wait3A_238] : memref<2x80x64xf32, #tpu.memory_space<vmem>> -> memref<1x80x64xf32, #tpu.memory_space<vmem>>
          %dma_wait3A_240 = tpu.memref_squeeze %dma_wait3A_239 : memref<1x80x64xf32, #tpu.memory_space<vmem>> -> memref<80x64xf32, #tpu.memory_space<vmem>>
          %dma_wait3A_241 = arith.constant 0 : i32
          %dma_wait3A_242 = tpu.memref_slice %arg6[%mul3A_88, %dma_wait3A_241] : memref<51200x64xf32, #tpu.memory_space<hbm>> -> memref<80x64xf32, #tpu.memory_space<hbm>>
          %dma_wait3A_243 = tpu.memref_slice %arg15[%sub3A_236] : memref<2x!tpu.dma_semaphore, #tpu.memory_space<semaphore_mem>> -> memref<1x!tpu.dma_semaphore, #tpu.memory_space<semaphore_mem>>
          %dma_wait3A_244 = tpu.memref_squeeze %dma_wait3A_243 : memref<1x!tpu.dma_semaphore, #tpu.memory_space<semaphore_mem>> -> memref<!tpu.dma_semaphore, #tpu.memory_space<semaphore_mem>>
          %dma_wait3A_245 = arith.constant 0 : i32
          %dma_wait3A_246 = tpu.memref_slice %arg6[%mul3A_88, %dma_wait3A_245] : memref<51200x64xf32, #tpu.memory_space<hbm>> -> memref<80x64xf32, #tpu.memory_space<hbm>>
          %dma_wait3A_247 = arith.constant 0 : i32
          %dma_wait3A_248 = arith.constant 0 : i32
          %dma_wait3A_249 = tpu.memref_slice %arg11[%sub3A_234, %dma_wait3A_247, %dma_wait3A_248] : memref<2x80x64xf32, #tpu.memory_space<vmem>> -> memref<1x80x64xf32, #tpu.memory_space<vmem>>
          %dma_wait3A_250 = tpu.memref_squeeze %dma_wait3A_249 : memref<1x80x64xf32, #tpu.memory_space<vmem>> -> memref<80x64xf32, #tpu.memory_space<vmem>>
          tpu.wait_dma2 semaphore(%dma_wait3A_244 : memref<!tpu.dma_semaphore, #tpu.memory_space<semaphore_mem>>) src(%dma_wait3A_250 : memref<80x64xf32, #tpu.memory_space<vmem>>) dst(%dma_wait3A_246 : memref<80x64xf32, #tpu.memory_space<hbm>>)
        } else {
        }
        %add3A_218 = arith.constant 1 : i32
        %add3A_219 = arith.addi %scan3A_175, %add3A_218 : i32
        %sub3A = arith.constant 1 : i32
        %sub3A_220 = arith.subi %sub3A, %rem3A_176 : i32
        %dma_start3A_221 = arith.constant 0 : i32
        %dma_start3A_222 = arith.constant 0 : i32
        %dma_start3A_223 = tpu.memref_slice %arg11[%sub3A_220, %dma_start3A_221, %dma_start3A_222] : memref<2x80x64xf32, #tpu.memory_space<vmem>> -> memref<1x80x64xf32, #tpu.memory_space<vmem>>
        %dma_start3A_224 = tpu.memref_squeeze %dma_start3A_223 : memref<1x80x64xf32, #tpu.memory_space<vmem>> -> memref<80x64xf32, #tpu.memory_space<vmem>>
        %dma_start3A_225 = arith.constant 0 : i32
        %dma_start3A_226 = tpu.memref_slice %arg10[%add3A_219, %dma_start3A_225] : memref<20x80xi32, #tpu.memory_space<vmem>> -> memref<1x80xi32, #tpu.memory_space<vmem>>
        %dma_start3A_227 = tpu.memref_squeeze %dma_start3A_226 : memref<1x80xi32, #tpu.memory_space<vmem>> -> memref<80xi32, #tpu.memory_space<vmem>>
        %dma_start3A_228 = arith.constant 0 : i32
        %dma_start3A_229 = arith.constant 0 : i32
        %dma_start3A_230 = tpu.memref_slice %arg4[%dma_start3A_228, %dma_start3A_229] : memref<1015808x64xf32, #tpu.memory_space<hbm>> -> memref<1015808x64xf32, #tpu.memory_space<hbm>>
        %dma_start3A_231 = tpu.memref_slice %arg14[%sub3A_220] : memref<2x!tpu.dma_semaphore, #tpu.memory_space<semaphore_mem>> -> memref<1x!tpu.dma_semaphore, #tpu.memory_space<semaphore_mem>>
        %dma_start3A_232 = tpu.memref_squeeze %dma_start3A_231 : memref<1x!tpu.dma_semaphore, #tpu.memory_space<semaphore_mem>> -> memref<!tpu.dma_semaphore, #tpu.memory_space<semaphore_mem>>
        tpu.enqueue_indirect_dma source(%dma_start3A_230 : memref<1015808x64xf32, #tpu.memory_space<hbm>>) target(%dma_start3A_224 : memref<80x64xf32, #tpu.memory_space<vmem>>) offsets(%dma_start3A_227 : memref<80xi32, #tpu.memory_space<vmem>>) semaphore(%dma_start3A_232 : memref<!tpu.dma_semaphore, #tpu.memory_space<semaphore_mem>>)
      } else {
      }
      %dma_wait3A_181 = arith.constant 0 : i32
      %dma_wait3A_182 = arith.constant 0 : i32
      %dma_wait3A_183 = tpu.memref_slice %arg11[%rem3A_176, %dma_wait3A_181, %dma_wait3A_182] : memref<2x80x64xf32, #tpu.memory_space<vmem>> -> memref<1x80x64xf32, #tpu.memory_space<vmem>>
      %dma_wait3A_184 = tpu.memref_squeeze %dma_wait3A_183 : memref<1x80x64xf32, #tpu.memory_space<vmem>> -> memref<80x64xf32, #tpu.memory_space<vmem>>
      %dma_wait3A_185 = arith.constant 0 : i32
      %dma_wait3A_186 = arith.constant 0 : i32
      %dma_wait3A_187 = tpu.memref_slice %arg4[%dma_wait3A_185, %dma_wait3A_186] : memref<1015808x64xf32, #tpu.memory_space<hbm>> -> memref<80x64xf32, #tpu.memory_space<hbm>>
      %dma_wait3A_188 = tpu.memref_slice %arg14[%rem3A_176] : memref<2x!tpu.dma_semaphore, #tpu.memory_space<semaphore_mem>> -> memref<1x!tpu.dma_semaphore, #tpu.memory_space<semaphore_mem>>
      %dma_wait3A_189 = tpu.memref_squeeze %dma_wait3A_188 : memref<1x!tpu.dma_semaphore, #tpu.memory_space<semaphore_mem>> -> memref<!tpu.dma_semaphore, #tpu.memory_space<semaphore_mem>>
      %dma_wait3A_190 = arith.constant 0 : i32
      %dma_wait3A_191 = arith.constant 0 : i32
      %dma_wait3A_192 = tpu.memref_slice %arg11[%rem3A_176, %dma_wait3A_190, %dma_wait3A_191] : memref<2x80x64xf32, #tpu.memory_space<vmem>> -> memref<1x80x64xf32, #tpu.memory_space<vmem>>
      %dma_wait3A_193 = tpu.memref_squeeze %dma_wait3A_192 : memref<1x80x64xf32, #tpu.memory_space<vmem>> -> memref<80x64xf32, #tpu.memory_space<vmem>>
      %dma_wait3A_194 = arith.constant 0 : i32
      %dma_wait3A_195 = arith.constant 0 : i32
      %dma_wait3A_196 = tpu.memref_slice %arg4[%dma_wait3A_194, %dma_wait3A_195] : memref<1015808x64xf32, #tpu.memory_space<hbm>> -> memref<80x64xf32, #tpu.memory_space<hbm>>
      tpu.wait_dma2 semaphore(%dma_wait3A_189 : memref<!tpu.dma_semaphore, #tpu.memory_space<semaphore_mem>>) src(%dma_wait3A_196 : memref<80x64xf32, #tpu.memory_space<hbm>>) dst(%dma_wait3A_193 : memref<80x64xf32, #tpu.memory_space<vmem>>)
      %mul3A_197 = arith.constant 80 : i32
      %mul3A_198 = arith.muli %scan3A_175, %mul3A_197 : i32
      %add3A_199 = arith.addi %mul3A_88, %mul3A_198 : i32
      %dma_start3A_200 = arith.constant 0 : i32
      %dma_start3A_201 = arith.constant 0 : i32
      %dma_start3A_202 = tpu.memref_slice %arg11[%rem3A_176, %dma_start3A_200, %dma_start3A_201] : memref<2x80x64xf32, #tpu.memory_space<vmem>> -> memref<1x80x64xf32, #tpu.memory_space<vmem>>
      %dma_start3A_203 = tpu.memref_squeeze %dma_start3A_202 : memref<1x80x64xf32, #tpu.memory_space<vmem>> -> memref<80x64xf32, #tpu.memory_space<vmem>>
      %dma_start3A_204 = arith.constant 0 : i32
      %dma_start3A_205 = tpu.memref_slice %arg6[%add3A_199, %dma_start3A_204] : memref<51200x64xf32, #tpu.memory_space<hbm>> -> memref<80x64xf32, #tpu.memory_space<hbm>>
      %dma_start3A_206 = tpu.memref_slice %arg15[%rem3A_176] : memref<2x!tpu.dma_semaphore, #tpu.memory_space<semaphore_mem>> -> memref<1x!tpu.dma_semaphore, #tpu.memory_space<semaphore_mem>>
      %dma_start3A_207 = tpu.memref_squeeze %dma_start3A_206 : memref<1x!tpu.dma_semaphore, #tpu.memory_space<semaphore_mem>> -> memref<!tpu.dma_semaphore, #tpu.memory_space<semaphore_mem>>
      %dma_start3A_208 = arith.constant 0 : i32
      %dma_start3A_209 = tpu.memref_slice %arg6[%add3A_199, %dma_start3A_208] : memref<51200x64xf32, #tpu.memory_space<hbm>> -> memref<80x64xf32, #tpu.memory_space<hbm>>
      %dma_start3A_210 = arith.constant 0 : i32
      %dma_start3A_211 = arith.constant 0 : i32
      %dma_start3A_212 = tpu.memref_slice %arg11[%rem3A_176, %dma_start3A_210, %dma_start3A_211] : memref<2x80x64xf32, #tpu.memory_space<vmem>> -> memref<1x80x64xf32, #tpu.memory_space<vmem>>
      %dma_start3A_213 = tpu.memref_squeeze %dma_start3A_212 : memref<1x80x64xf32, #tpu.memory_space<vmem>> -> memref<80x64xf32, #tpu.memory_space<vmem>>
      tpu.enqueue_dma source(%dma_start3A_213 : memref<80x64xf32, #tpu.memory_space<vmem>>) target(%dma_start3A_209 : memref<80x64xf32, #tpu.memory_space<hbm>>) target_semaphore(%dma_start3A_207 : memref<!tpu.dma_semaphore, #tpu.memory_space<semaphore_mem>>)
    }
    %scan3A_109 = arith.constant 20 : i32
    %dma_wait3A = arith.constant 0 : i32
    %dma_wait3A_110 = arith.constant 0 : i32
    %dma_wait3A_111 = arith.constant 0 : i32
    %dma_wait3A_112 = arith.constant 0 : i32
    %dma_wait3A_113 = tpu.memref_slice %arg11[%dma_wait3A, %dma_wait3A_111, %dma_wait3A_112] : memref<2x80x64xf32, #tpu.memory_space<vmem>> -> memref<1x80x64xf32, #tpu.memory_space<vmem>>
    %dma_wait3A_114 = tpu.memref_squeeze %dma_wait3A_113 : memref<1x80x64xf32, #tpu.memory_space<vmem>> -> memref<80x64xf32, #tpu.memory_space<vmem>>
    %dma_wait3A_115 = arith.constant 0 : i32
    %dma_wait3A_116 = tpu.memref_slice %arg6[%mul3A_88, %dma_wait3A_115] : memref<51200x64xf32, #tpu.memory_space<hbm>> -> memref<80x64xf32, #tpu.memory_space<hbm>>
    %dma_wait3A_117 = tpu.memref_slice %arg15[%dma_wait3A_110] : memref<2x!tpu.dma_semaphore, #tpu.memory_space<semaphore_mem>> -> memref<1x!tpu.dma_semaphore, #tpu.memory_space<semaphore_mem>>
    %dma_wait3A_118 = tpu.memref_squeeze %dma_wait3A_117 : memref<1x!tpu.dma_semaphore, #tpu.memory_space<semaphore_mem>> -> memref<!tpu.dma_semaphore, #tpu.memory_space<semaphore_mem>>
    %dma_wait3A_119 = arith.constant 0 : i32
    %dma_wait3A_120 = tpu.memref_slice %arg6[%mul3A_88, %dma_wait3A_119] : memref<51200x64xf32, #tpu.memory_space<hbm>> -> memref<80x64xf32, #tpu.memory_space<hbm>>
    %dma_wait3A_121 = arith.constant 0 : i32
    %dma_wait3A_122 = arith.constant 0 : i32
    %dma_wait3A_123 = tpu.memref_slice %arg11[%dma_wait3A, %dma_wait3A_121, %dma_wait3A_122] : memref<2x80x64xf32, #tpu.memory_space<vmem>> -> memref<1x80x64xf32, #tpu.memory_space<vmem>>
    %dma_wait3A_124 = tpu.memref_squeeze %dma_wait3A_123 : memref<1x80x64xf32, #tpu.memory_space<vmem>> -> memref<80x64xf32, #tpu.memory_space<vmem>>
    tpu.wait_dma2 semaphore(%dma_wait3A_118 : memref<!tpu.dma_semaphore, #tpu.memory_space<semaphore_mem>>) src(%dma_wait3A_124 : memref<80x64xf32, #tpu.memory_space<vmem>>) dst(%dma_wait3A_120 : memref<80x64xf32, #tpu.memory_space<hbm>>)
    %dma_wait3A_125 = arith.constant 0 : i32
    %dma_wait3A_126 = arith.constant 0 : i32
    %dma_wait3A_127 = arith.constant 0 : i32
    %dma_wait3A_128 = arith.constant 0 : i32
    %dma_wait3A_129 = tpu.memref_slice %arg9[%dma_wait3A_125, %dma_wait3A_128] : memref<2x64xf32, #tpu.memory_space<vmem>> -> memref<1x64xf32, #tpu.memory_space<vmem>>
    %dma_wait3A_130 = tpu.memref_squeeze %dma_wait3A_129 : memref<1x64xf32, #tpu.memory_space<vmem>> -> memref<64xf32, #tpu.memory_space<vmem>>
    %dma_wait3A_131 = arith.constant 0 : i32
    %dma_wait3A_132 = tpu.memref_slice %arg5[%dma_wait3A_126, %dma_wait3A_131] : memref<1024x64xf32, #tpu.memory_space<hbm>> -> memref<1x64xf32, #tpu.memory_space<hbm>>
    %dma_wait3A_133 = tpu.memref_squeeze %dma_wait3A_132 : memref<1x64xf32, #tpu.memory_space<hbm>> -> memref<64xf32, #tpu.memory_space<hbm>>
    %dma_wait3A_134 = tpu.memref_slice %arg13[%dma_wait3A_127] : memref<2x!tpu.dma_semaphore, #tpu.memory_space<semaphore_mem>> -> memref<1x!tpu.dma_semaphore, #tpu.memory_space<semaphore_mem>>
    %dma_wait3A_135 = tpu.memref_squeeze %dma_wait3A_134 : memref<1x!tpu.dma_semaphore, #tpu.memory_space<semaphore_mem>> -> memref<!tpu.dma_semaphore, #tpu.memory_space<semaphore_mem>>
    %dma_wait3A_136 = arith.constant 0 : i32
    %dma_wait3A_137 = tpu.memref_slice %arg5[%dma_wait3A_126, %dma_wait3A_136] : memref<1024x64xf32, #tpu.memory_space<hbm>> -> memref<1x64xf32, #tpu.memory_space<hbm>>
    %dma_wait3A_138 = tpu.memref_squeeze %dma_wait3A_137 : memref<1x64xf32, #tpu.memory_space<hbm>> -> memref<64xf32, #tpu.memory_space<hbm>>
    %dma_wait3A_139 = arith.constant 0 : i32
    %dma_wait3A_140 = tpu.memref_slice %arg9[%dma_wait3A_125, %dma_wait3A_139] : memref<2x64xf32, #tpu.memory_space<vmem>> -> memref<1x64xf32, #tpu.memory_space<vmem>>
    %dma_wait3A_141 = tpu.memref_squeeze %dma_wait3A_140 : memref<1x64xf32, #tpu.memory_space<vmem>> -> memref<64xf32, #tpu.memory_space<vmem>>
    tpu.wait_dma2 semaphore(%dma_wait3A_135 : memref<!tpu.dma_semaphore, #tpu.memory_space<semaphore_mem>>) src(%dma_wait3A_141 : memref<64xf32, #tpu.memory_space<vmem>>) dst(%dma_wait3A_138 : memref<64xf32, #tpu.memory_space<hbm>>)
    %dma_wait3A_142 = arith.constant 1 : i32
    %dma_wait3A_143 = arith.constant 1 : i32
    %dma_wait3A_144 = arith.constant 0 : i32
    %dma_wait3A_145 = arith.constant 0 : i32
    %dma_wait3A_146 = tpu.memref_slice %arg11[%dma_wait3A_142, %dma_wait3A_144, %dma_wait3A_145] : memref<2x80x64xf32, #tpu.memory_space<vmem>> -> memref<1x80x64xf32, #tpu.memory_space<vmem>>
    %dma_wait3A_147 = tpu.memref_squeeze %dma_wait3A_146 : memref<1x80x64xf32, #tpu.memory_space<vmem>> -> memref<80x64xf32, #tpu.memory_space<vmem>>
    %dma_wait3A_148 = arith.constant 0 : i32
    %dma_wait3A_149 = tpu.memref_slice %arg6[%mul3A_88, %dma_wait3A_148] : memref<51200x64xf32, #tpu.memory_space<hbm>> -> memref<80x64xf32, #tpu.memory_space<hbm>>
    %dma_wait3A_150 = tpu.memref_slice %arg15[%dma_wait3A_143] : memref<2x!tpu.dma_semaphore, #tpu.memory_space<semaphore_mem>> -> memref<1x!tpu.dma_semaphore, #tpu.memory_space<semaphore_mem>>
    %dma_wait3A_151 = tpu.memref_squeeze %dma_wait3A_150 : memref<1x!tpu.dma_semaphore, #tpu.memory_space<semaphore_mem>> -> memref<!tpu.dma_semaphore, #tpu.memory_space<semaphore_mem>>
    %dma_wait3A_152 = arith.constant 0 : i32
    %dma_wait3A_153 = tpu.memref_slice %arg6[%mul3A_88, %dma_wait3A_152] : memref<51200x64xf32, #tpu.memory_space<hbm>> -> memref<80x64xf32, #tpu.memory_space<hbm>>
    %dma_wait3A_154 = arith.constant 0 : i32
    %dma_wait3A_155 = arith.constant 0 : i32
    %dma_wait3A_156 = tpu.memref_slice %arg11[%dma_wait3A_142, %dma_wait3A_154, %dma_wait3A_155] : memref<2x80x64xf32, #tpu.memory_space<vmem>> -> memref<1x80x64xf32, #tpu.memory_space<vmem>>
    %dma_wait3A_157 = tpu.memref_squeeze %dma_wait3A_156 : memref<1x80x64xf32, #tpu.memory_space<vmem>> -> memref<80x64xf32, #tpu.memory_space<vmem>>
    tpu.wait_dma2 semaphore(%dma_wait3A_151 : memref<!tpu.dma_semaphore, #tpu.memory_space<semaphore_mem>>) src(%dma_wait3A_157 : memref<80x64xf32, #tpu.memory_space<vmem>>) dst(%dma_wait3A_153 : memref<80x64xf32, #tpu.memory_space<hbm>>)
    %dma_wait3A_158 = arith.constant 1 : i32
    %dma_wait3A_159 = arith.constant 0 : i32
    %dma_wait3A_160 = arith.constant 1 : i32
    %dma_wait3A_161 = arith.constant 0 : i32
    %dma_wait3A_162 = tpu.memref_slice %arg9[%dma_wait3A_158, %dma_wait3A_161] : memref<2x64xf32, #tpu.memory_space<vmem>> -> memref<1x64xf32, #tpu.memory_space<vmem>>
    %dma_wait3A_163 = tpu.memref_squeeze %dma_wait3A_162 : memref<1x64xf32, #tpu.memory_space<vmem>> -> memref<64xf32, #tpu.memory_space<vmem>>
    %dma_wait3A_164 = arith.constant 0 : i32
    %dma_wait3A_165 = tpu.memref_slice %arg5[%dma_wait3A_159, %dma_wait3A_164] : memref<1024x64xf32, #tpu.memory_space<hbm>> -> memref<1x64xf32, #tpu.memory_space<hbm>>
    %dma_wait3A_166 = tpu.memref_squeeze %dma_wait3A_165 : memref<1x64xf32, #tpu.memory_space<hbm>> -> memref<64xf32, #tpu.memory_space<hbm>>
    %dma_wait3A_167 = tpu.memref_slice %arg13[%dma_wait3A_160] : memref<2x!tpu.dma_semaphore, #tpu.memory_space<semaphore_mem>> -> memref<1x!tpu.dma_semaphore, #tpu.memory_space<semaphore_mem>>
    %dma_wait3A_168 = tpu.memref_squeeze %dma_wait3A_167 : memref<1x!tpu.dma_semaphore, #tpu.memory_space<semaphore_mem>> -> memref<!tpu.dma_semaphore, #tpu.memory_space<semaphore_mem>>
    %dma_wait3A_169 = arith.constant 0 : i32
    %dma_wait3A_170 = tpu.memref_slice %arg5[%dma_wait3A_159, %dma_wait3A_169] : memref<1024x64xf32, #tpu.memory_space<hbm>> -> memref<1x64xf32, #tpu.memory_space<hbm>>
    %dma_wait3A_171 = tpu.memref_squeeze %dma_wait3A_170 : memref<1x64xf32, #tpu.memory_space<hbm>> -> memref<64xf32, #tpu.memory_space<hbm>>
    %dma_wait3A_172 = arith.constant 0 : i32
    %dma_wait3A_173 = tpu.memref_slice %arg9[%dma_wait3A_158, %dma_wait3A_172] : memref<2x64xf32, #tpu.memory_space<vmem>> -> memref<1x64xf32, #tpu.memory_space<vmem>>
    %dma_wait3A_174 = tpu.memref_squeeze %dma_wait3A_173 : memref<1x64xf32, #tpu.memory_space<vmem>> -> memref<64xf32, #tpu.memory_space<vmem>>
    tpu.wait_dma2 semaphore(%dma_wait3A_168 : memref<!tpu.dma_semaphore, #tpu.memory_space<semaphore_mem>>) src(%dma_wait3A_174 : memref<64xf32, #tpu.memory_space<vmem>>) dst(%dma_wait3A_171 : memref<64xf32, #tpu.memory_space<hbm>>)
    return
  }
}

module attributes {stable_mosaic.version = 14 : i64} {
  func.func @_tc_transpose_body(%arg0: i32, %arg1: memref<64x16384xf32, #tpu.memory_space<vmem>>, %arg2: memref<8192x128xf32, #tpu.memory_space<vmem>>) attributes {dimension_semantics = [#tpu.dimension_semantics<arbitrary>], iteration_bounds = array<i64: 62>, scalar_prefetch = 0 : i64, scratch_operands = 0 : i64, tpu.core_type = #tpu.core_type<tc>, window_params = [{transform_indices = @transform_0, window_bounds = array<i64: 64, 16384>}, {transform_indices = @transform_1, window_bounds = array<i64: 8192, 128>}]} {
    %get3A = arith.constant 0 : index
    %get3A_0 = arith.constant 0 : index
    %get3A_1 = vector.load %arg1[%get3A, %get3A_0] : memref<64x16384xf32, #tpu.memory_space<vmem>>, vector<64x8192xf32>
    %transpose3A = tpu.transpose %get3A_1, [1, 0] : vector<64x8192xf32> -> vector<8192x64xf32>
    %get3A_2 = arith.constant 0 : index
    %get3A_3 = arith.constant 8192 : index
    %get3A_4 = vector.load %arg1[%get3A_2, %get3A_3] : memref<64x16384xf32, #tpu.memory_space<vmem>>, vector<64x8192xf32>
    %transpose3A_5 = tpu.transpose %get3A_4, [1, 0] : vector<64x8192xf32> -> vector<8192x64xf32>
    %concatenate3A = tpu.concatenate %transpose3A, %transpose3A_5 in 1 : vector<8192x64xf32>, vector<8192x64xf32> -> vector<8192x128xf32>
    %swap3A = arith.constant 0 : index
    %swap3A_6 = arith.constant 0 : index
    %swap3A_7 = vector.load %arg2[%swap3A, %swap3A_6] : memref<8192x128xf32, #tpu.memory_space<vmem>>, vector<8192x128xf32>
    tpu.vector_store %arg2[%swap3A, %swap3A_6], %concatenate3A {strides = array<i32>} : memref<8192x128xf32, #tpu.memory_space<vmem>>, vector<8192x128xf32>,
    return
  }
  func.func @transform_0(%arg0: i32) -> (i32, i32) {
    %c0_i32 = arith.constant 0 : i32
    %c0_i32_0 = arith.constant 0 : i32
    return %c0_i32, %arg0 : i32, i32
  }
  func.func @transform_1(%arg0: i32) -> (i32, i32) {
    %c0_i32 = arith.constant 0 : i32
    %c0_i32_0 = arith.constant 0 : i32
    return %arg0, %c0_i32 : i32, i32
  }
}

module attributes {stable_mosaic.version = 14 : i64} {
  func.func @_tc_user_gather_body(%arg0: i32, %arg1: memref<1024xi32, #tpu.memory_space<smem>>, %arg2: memref<128xi32, #tpu.memory_space<vmem>>, %arg3: memref<64x1000000xf32, #tpu.memory_space<any>>, %arg4: memref<128x64xf32, #tpu.memory_space<vmem>>, %arg5: memref<128x64x128xf32, #tpu.memory_space<vmem>>, %arg6: memref<!tpu.dma_semaphore, #tpu.memory_space<semaphore_mem>>) attributes {dimension_semantics = [#tpu.dimension_semantics<arbitrary>], iteration_bounds = array<i64: 8>, scalar_prefetch = 0 : i64, scratch_operands = 2 : i64, tpu.core_type = #tpu.core_type<tc>, window_params = [{transform_indices = @transform_0, window_bounds = array<i64: 1024>}, {transform_indices = @transform_1, window_bounds = array<i64: 128>}, {}, {transform_indices = @transform_3, window_bounds = array<i64: 128, 64>}]} {
    %scan3A = arith.constant 0 : i32
    %scan3A_0 = arith.constant 128 : i32
    %scan3A_1 = arith.addi %scan3A, %scan3A_0 : i32
    %scan3A_2 = arith.constant 1 : i32
    scf.for %scan3A_22 = %scan3A to %scan3A_1 step %scan3A_2  : i32 {
      %mul3A_23 = arith.constant 128 : i32
      %mul3A_24 = arith.muli %arg0, %mul3A_23 : i32
      %add3A = arith.addi %mul3A_24, %scan3A_22 : i32
      %get3A_25 = arith.index_cast %add3A : i32 to index
      %get3A_26 = memref.load %arg1[%get3A_25] : memref<1024xi32, #tpu.memory_space<smem>>
      %shift_right_arithmetic3A = arith.constant 7 : i32
      %shift_right_arithmetic3A_27 = arith.shrsi %get3A_26, %shift_right_arithmetic3A : i32
      %shift_left3A = arith.constant 7 : i32
      %shift_left3A_28 = arith.shli %shift_right_arithmetic3A_27, %shift_left3A : i32
      %multiple_of3A = tpu.assume_multiple %shift_left3A_28, 128 : i32
      %dma_start3A = arith.constant 0 : i32
      %dma_start3A_29 = arith.constant 0 : i32
      %dma_start3A_30 = tpu.memref_slice %arg5[%scan3A_22, %dma_start3A, %dma_start3A_29] : memref<128x64x128xf32, #tpu.memory_space<vmem>> -> memref<1x64x128xf32, #tpu.memory_space<vmem>>
      %dma_start3A_31 = tpu.memref_squeeze %dma_start3A_30 : memref<1x64x128xf32, #tpu.memory_space<vmem>> -> memref<64x128xf32, #tpu.memory_space<vmem>>
      %dma_start3A_32 = arith.constant 0 : i32
      %dma_start3A_33 = tpu.memref_slice %arg3[%dma_start3A_32, %multiple_of3A] : memref<64x1000000xf32, #tpu.memory_space<any>> -> memref<64x128xf32, #tpu.memory_space<any>>
      tpu.enqueue_dma source(%dma_start3A_33 : memref<64x128xf32, #tpu.memory_space<any>>) target(%dma_start3A_31 : memref<64x128xf32, #tpu.memory_space<vmem>>) target_semaphore(%arg6 : memref<!tpu.dma_semaphore, #tpu.memory_space<semaphore_mem>>)
    }
    %scan3A_3 = arith.constant 128 : i32
    %scan3A_4 = arith.constant 0 : i32
    %scan3A_5 = arith.constant 128 : i32
    %scan3A_6 = arith.addi %scan3A_4, %scan3A_5 : i32
    %scan3A_7 = arith.constant 1 : i32
    scf.for %scan3A_22 = %scan3A_4 to %scan3A_6 step %scan3A_7  : i32 {
      %dma_wait3A = arith.constant 0 : i32
      %dma_wait3A_23 = arith.constant 0 : i32
      %dma_wait3A_24 = tpu.memref_slice %arg5[%scan3A_22, %dma_wait3A, %dma_wait3A_23] : memref<128x64x128xf32, #tpu.memory_space<vmem>> -> memref<1x64x128xf32, #tpu.memory_space<vmem>>
      %dma_wait3A_25 = tpu.memref_squeeze %dma_wait3A_24 : memref<1x64x128xf32, #tpu.memory_space<vmem>> -> memref<64x128xf32, #tpu.memory_space<vmem>>
      %dma_wait3A_26 = arith.constant 0 : i32
      %dma_wait3A_27 = arith.constant 0 : i32
      %dma_wait3A_28 = tpu.memref_slice %arg3[%dma_wait3A_26, %dma_wait3A_27] : memref<64x1000000xf32, #tpu.memory_space<any>> -> memref<64x128xf32, #tpu.memory_space<any>>
      tpu.wait_dma2 semaphore(%arg6 : memref<!tpu.dma_semaphore, #tpu.memory_space<semaphore_mem>>) src(%dma_wait3A_28 : memref<64x128xf32, #tpu.memory_space<any>>) dst(%dma_wait3A_25 : memref<64x128xf32, #tpu.memory_space<vmem>>)
    }
    %scan3A_8 = arith.constant 128 : i32
    %get3A = arith.constant 0 : index
    %get3A_9 = vector.load %arg2[%get3A] : memref<128xi32, #tpu.memory_space<vmem>>, vector<128xi32>
    %and3A = arith.constant 127 : i32
    %and3A_10 = vector.broadcast %and3A : i32 to vector<128xi32>
    %and3A_11 = arith.andi %get3A_9, %and3A_10 : vector<128xi32>
    %iota3A = tpu.iota {dimensions = array<i32: 2>} : vector<128x1x128xi32>
    %broadcast_in_dim3A = vector.shape_cast %and3A_11 : vector<128xi32> to vector<128x1x1xi32>
    %eq3A = vector.broadcast %broadcast_in_dim3A : vector<128x1x1xi32> to vector<128x1x128xi32>
    %eq3A_12 = arith.cmpi eq, %iota3A, %eq3A : vector<128x1x128xi32>
    %convert_element_type3A = arith.extui %eq3A_12 : vector<128x1x128xi1> to vector<128x1x128xi32>
    %convert_element_type3A_13 = arith.sitofp %convert_element_type3A : vector<128x1x128xi32> to vector<128x1x128xf32>
    %get3A_14 = arith.constant 0 : index
    %get3A_15 = arith.constant 0 : index
    %get3A_16 = arith.constant 0 : index
    %get3A_17 = vector.load %arg5[%get3A_14, %get3A_15, %get3A_16] : memref<128x64x128xf32, #tpu.memory_space<vmem>>, vector<128x64x128xf32>
    %mul3A = vector.broadcast %convert_element_type3A_13 : vector<128x1x128xf32> to vector<128x64x128xf32>
    %mul3A_18 = arith.mulf %get3A_17, %mul3A : vector<128x64x128xf32>
    %reduce_sum3A = arith.constant dense<0.000000e+00> : vector<128x64xf32>
    %reduce_sum3A_19 = vector.multi_reduction <add>, %mul3A_18, %reduce_sum3A [2] : vector<128x64x128xf32> to vector<128x64xf32>
    %swap3A = arith.constant 0 : index
    %swap3A_20 = arith.constant 0 : index
    %swap3A_21 = vector.load %arg4[%swap3A, %swap3A_20] : memref<128x64xf32, #tpu.memory_space<vmem>>, vector<128x64xf32>
    tpu.vector_store %arg4[%swap3A, %swap3A_20], %reduce_sum3A_19 {strides = array<i32>} : memref<128x64xf32, #tpu.memory_space<vmem>>, vector<128x64xf32>,
    return
  }
  func.func @transform_0(%arg0: i32) -> i32 {
    %c0_i32 = arith.constant 0 : i32
    %c0_i32_0 = arith.constant 0 : i32
    return %c0_i32 : i32
  }
  func.func @transform_1(%arg0: i32) -> i32 {
    %c0_i32 = arith.constant 0 : i32
    return %arg0 : i32
  }
  func.func @transform_3(%arg0: i32) -> (i32, i32) {
    %c0_i32 = arith.constant 0 : i32
    %c0_i32_0 = arith.constant 0 : i32
    return %arg0, %c0_i32 : i32, i32
  }
}

module attributes {stable_mosaic.version = 14 : i64} {
  func.func @_tc_body(%arg0: i32, %arg1: memref<256x64xf32, #tpu.memory_space<vmem>>, %arg2: memref<256x64xf32, #tpu.memory_space<vmem>>, %arg3: memref<256x1xf32, #tpu.memory_space<vmem>>, %arg4: memref<256x50x64xf32, #tpu.memory_space<vmem>>, %arg5: memref<256x50xf32, #tpu.memory_space<vmem>>, %arg6: memref<256x50xf32, #tpu.memory_space<vmem>>, %arg7: memref<1x1xf32, #tpu.memory_space<vmem>>) attributes {dimension_semantics = [#tpu.dimension_semantics<arbitrary>], iteration_bounds = array<i64: 4>, scalar_prefetch = 0 : i64, scratch_operands = 0 : i64, tpu.core_type = #tpu.core_type<tc>, window_params = [{transform_indices = @transform_0, window_bounds = array<i64: 256, 64>}, {transform_indices = @transform_1, window_bounds = array<i64: 256, 64>}, {transform_indices = @transform_2, window_bounds = array<i64: 256, 1>}, {transform_indices = @transform_3, window_bounds = array<i64: 256, 50, 64>}, {transform_indices = @transform_4, window_bounds = array<i64: 256, 50>}, {transform_indices = @transform_5, window_bounds = array<i64: 256, 50>}, {pipeline_mode = #tpu.pipeline_mode<synchronous>, transform_indices = @transform_6, window_bounds = array<i64: 1, 1>}]} {
    %get3A = arith.constant 0 : index
    %get3A_0 = arith.constant 0 : index
    %get3A_1 = vector.load %arg1[%get3A, %get3A_0] : memref<256x64xf32, #tpu.memory_space<vmem>>, vector<256x64xf32>
    %get3A_2 = arith.constant 0 : index
    %get3A_3 = arith.constant 0 : index
    %get3A_4 = vector.load %arg3[%get3A_2, %get3A_3] : memref<256x1xf32, #tpu.memory_space<vmem>>, vector<256x1xf32>
    %add3A = arith.constant 9.99999997E-7 : f32
    %add3A_5 = vector.broadcast %add3A : f32 to vector<256x1xf32>
    %add3A_6 = arith.addf %get3A_4, %add3A_5 : vector<256x1xf32>
    %div3A = vector.broadcast %add3A_6 : vector<256x1xf32> to vector<256x64xf32>
    %div3A_7 = arith.divf %get3A_1, %div3A : vector<256x64xf32>
    %get3A_8 = arith.constant 0 : index
    %get3A_9 = arith.constant 0 : index
    %get3A_10 = vector.load %arg2[%get3A_8, %get3A_9] : memref<256x64xf32, #tpu.memory_space<vmem>>, vector<256x64xf32>
    %mul3A = arith.constant 5.000000e-01 : f32
    %mul3A_11 = vector.broadcast %mul3A : f32 to vector<256x64xf32>
    %mul3A_12 = arith.mulf %mul3A_11, %get3A_10 : vector<256x64xf32>
    %mul3A_13 = arith.constant 5.000000e-01 : f32
    %mul3A_14 = vector.broadcast %mul3A_13 : f32 to vector<256x64xf32>
    %mul3A_15 = arith.mulf %mul3A_14, %div3A_7 : vector<256x64xf32>
    %add3A_16 = arith.addf %mul3A_12, %mul3A_15 : vector<256x64xf32>
    %reduce_sum3A = arith.constant dense<0.000000e+00> : vector<256xf32>
    %reduce_sum3A_17 = vector.multi_reduction <add>, %add3A_16, %reduce_sum3A [1] : vector<256x64xf32> to vector<256xf32>
    %broadcast_in_dim3A = vector.shape_cast %reduce_sum3A_17 : vector<256xf32> to vector<256x1xf32>
    %div3A_18 = arith.constant 6.400000e+01 : f32
    %div3A_19 = vector.broadcast %div3A_18 : f32 to vector<256x1xf32>
    %div3A_20 = arith.divf %broadcast_in_dim3A, %div3A_19 : vector<256x1xf32>
    %sub3A = vector.broadcast %div3A_20 : vector<256x1xf32> to vector<256x64xf32>
    %sub3A_21 = arith.subf %add3A_16, %sub3A : vector<256x64xf32>
    %mul3A_22 = arith.mulf %sub3A_21, %sub3A_21 : vector<256x64xf32>
    %reduce_sum3A_23 = arith.constant dense<0.000000e+00> : vector<256xf32>
    %reduce_sum3A_24 = vector.multi_reduction <add>, %mul3A_22, %reduce_sum3A_23 [1] : vector<256x64xf32> to vector<256xf32>
    %broadcast_in_dim3A_25 = vector.shape_cast %reduce_sum3A_24 : vector<256xf32> to vector<256x1xf32>
    %sqrt3A = math.sqrt %broadcast_in_dim3A_25 : vector<256x1xf32>
    %max3A = arith.constant 9.99999996E-13 : f32
    %max3A_26 = vector.broadcast %max3A : f32 to vector<256x1xf32>
    %max3A_27 = arith.maximumf %sqrt3A, %max3A_26 : vector<256x1xf32>
    %div3A_28 = vector.broadcast %max3A_27 : vector<256x1xf32> to vector<256x64xf32>
    %div3A_29 = arith.divf %sub3A_21, %div3A_28 : vector<256x64xf32>
    %get3A_30 = arith.constant 0 : index
    %get3A_31 = arith.constant 0 : index
    %get3A_32 = arith.constant 0 : index
    %get3A_33 = vector.load %arg4[%get3A_30, %get3A_31, %get3A_32] : memref<256x50x64xf32, #tpu.memory_space<vmem>>, vector<256x50x64xf32>
    %reduce_sum3A_34 = arith.constant dense<0.000000e+00> : vector<256x50xf32>
    %reduce_sum3A_35 = vector.multi_reduction <add>, %get3A_33, %reduce_sum3A_34 [2] : vector<256x50x64xf32> to vector<256x50xf32>
    %broadcast_in_dim3A_36 = vector.shape_cast %reduce_sum3A_35 : vector<256x50xf32> to vector<256x50x1xf32>
    %div3A_37 = arith.constant 6.400000e+01 : f32
    %div3A_38 = vector.broadcast %div3A_37 : f32 to vector<256x50x1xf32>
    %div3A_39 = arith.divf %broadcast_in_dim3A_36, %div3A_38 : vector<256x50x1xf32>
    %sub3A_40 = vector.broadcast %div3A_39 : vector<256x50x1xf32> to vector<256x50x64xf32>
    %sub3A_41 = arith.subf %get3A_33, %sub3A_40 : vector<256x50x64xf32>
    %mul3A_42 = arith.mulf %sub3A_41, %sub3A_41 : vector<256x50x64xf32>
    %reduce_sum3A_43 = arith.constant dense<0.000000e+00> : vector<256x50xf32>
    %reduce_sum3A_44 = vector.multi_reduction <add>, %mul3A_42, %reduce_sum3A_43 [2] : vector<256x50x64xf32> to vector<256x50xf32>
    %broadcast_in_dim3A_45 = vector.shape_cast %reduce_sum3A_44 : vector<256x50xf32> to vector<256x50x1xf32>
    %sqrt3A_46 = math.sqrt %broadcast_in_dim3A_45 : vector<256x50x1xf32>
    %max3A_47 = arith.constant 9.99999996E-13 : f32
    %max3A_48 = vector.broadcast %max3A_47 : f32 to vector<256x50x1xf32>
    %max3A_49 = arith.maximumf %sqrt3A_46, %max3A_48 : vector<256x50x1xf32>
    %div3A_50 = vector.broadcast %max3A_49 : vector<256x50x1xf32> to vector<256x50x64xf32>
    %div3A_51 = arith.divf %sub3A_41, %div3A_50 : vector<256x50x64xf32>
    %broadcast_in_dim3A_52 = vector.shape_cast %div3A_29 : vector<256x64xf32> to vector<256x1x64xf32>
    %mul3A_53 = vector.broadcast %broadcast_in_dim3A_52 : vector<256x1x64xf32> to vector<256x50x64xf32>
    %mul3A_54 = arith.mulf %mul3A_53, %div3A_51 : vector<256x50x64xf32>
    %reduce_sum3A_55 = arith.constant dense<0.000000e+00> : vector<256x50xf32>
    %reduce_sum3A_56 = vector.multi_reduction <add>, %mul3A_54, %reduce_sum3A_55 [2] : vector<256x50x64xf32> to vector<256x50xf32>
    %swap3A = arith.constant 0 : index
    %swap3A_57 = arith.constant 0 : index
    %swap3A_58 = vector.load %arg6[%swap3A, %swap3A_57] : memref<256x50xf32, #tpu.memory_space<vmem>>, vector<256x50xf32>
    tpu.vector_store %arg6[%swap3A, %swap3A_57], %reduce_sum3A_56 {strides = array<i32>} : memref<256x50xf32, #tpu.memory_space<vmem>>, vector<256x50xf32>,
    %get3A_59 = arith.constant 0 : index
    %get3A_60 = arith.constant 0 : index
    %get3A_61 = vector.load %arg5[%get3A_59, %get3A_60] : memref<256x50xf32, #tpu.memory_space<vmem>>, vector<256x50xf32>
    %max3A_62 = arith.constant 0.000000e+00 : f32
    %max3A_63 = vector.broadcast %max3A_62 : f32 to vector<256x50xf32>
    %max3A_64 = arith.maximumf %reduce_sum3A_56, %max3A_63 : vector<256x50xf32>
    %mul3A_65 = arith.mulf %reduce_sum3A_56, %get3A_61 : vector<256x50xf32>
    %sub3A_66 = arith.subf %max3A_64, %mul3A_65 : vector<256x50xf32>
    %abs3A = math.absf %reduce_sum3A_56 : vector<256x50xf32>
    %neg3A = arith.constant 0.000000e+00 : f32
    %neg3A_67 = vector.broadcast %neg3A : f32 to vector<256x50xf32>
    %neg3A_68 = arith.subf %neg3A_67, %abs3A : vector<256x50xf32>
    %exp3A = math.exp %neg3A_68 : vector<256x50xf32>
    %log1p3A = math.log1p %exp3A : vector<256x50xf32>
    %add3A_69 = arith.addf %sub3A_66, %log1p3A : vector<256x50xf32>
    %reduce_sum3A_70 = vector.shape_cast %add3A_69 : vector<256x50xf32> to vector<1x256x50xf32>
    %reduce_sum3A_71 = arith.constant dense<0.000000e+00> : vector<1xf32>
    %reduce_sum3A_72 = vector.multi_reduction <add>, %reduce_sum3A_70, %reduce_sum3A_71 [1, 2] : vector<1x256x50xf32> to vector<1xf32>
    %reduce_sum3A_73 = vector.shape_cast %reduce_sum3A_72 : vector<1xf32> to vector<1x1x1xf32>
    %reduce_sum3A_74 = vector.extract %reduce_sum3A_73[0, 0, 0] : f32 from vector<1x1x1xf32>
    %eq3A = arith.constant 0 : i32
    %eq3A_75 = arith.cmpi eq, %arg0, %eq3A : i32
    %convert_element_type3A = arith.extui %eq3A_75 : i1 to i32
    %cond3A = arith.constant 0 : i32
    %cond3A_76 = arith.cmpi ne, %convert_element_type3A, %cond3A : i32
    scf.if %cond3A_76 {
      %broadcast_in_dim3A_89 = arith.constant 0.000000e+00 : f32
      %broadcast_in_dim3A_90 = vector.broadcast %broadcast_in_dim3A_89 : f32 to vector<1x1xf32>
      %swap3A_91 = arith.constant 0 : index
      %swap3A_92 = arith.constant 0 : index
      %swap3A_93 = vector.load %arg7[%swap3A_91, %swap3A_92] : memref<1x1xf32, #tpu.memory_space<vmem>>, vector<1x1xf32>
      tpu.vector_store %arg7[%swap3A_91, %swap3A_92], %broadcast_in_dim3A_90 {strides = array<i32>} : memref<1x1xf32, #tpu.memory_space<vmem>>, vector<1x1xf32>,
    } else {
    }
    %get3A_77 = arith.constant 0 : index
    %get3A_78 = arith.constant 0 : index
    %get3A_79 = vector.load %arg7[%get3A_77, %get3A_78] : memref<1x1xf32, #tpu.memory_space<vmem>>, vector<1x1xf32>
    %reshape3A = vector.broadcast %reduce_sum3A_74 : f32 to vector<1x1xf32>
    %add3A_80 = arith.addf %get3A_79, %reshape3A : vector<1x1xf32>
    %swap3A_81 = arith.constant 0 : index
    %swap3A_82 = arith.constant 0 : index
    %swap3A_83 = vector.load %arg7[%swap3A_81, %swap3A_82] : memref<1x1xf32, #tpu.memory_space<vmem>>, vector<1x1xf32>
    tpu.vector_store %arg7[%swap3A_81, %swap3A_82], %add3A_80 {strides = array<i32>} : memref<1x1xf32, #tpu.memory_space<vmem>>, vector<1x1xf32>,
    %eq3A_84 = arith.constant 3 : i32
    %eq3A_85 = arith.cmpi eq, %arg0, %eq3A_84 : i32
    %convert_element_type3A_86 = arith.extui %eq3A_85 : i1 to i32
    %cond3A_87 = arith.constant 0 : i32
    %cond3A_88 = arith.cmpi ne, %convert_element_type3A_86, %cond3A_87 : i32
    scf.if %cond3A_88 {
      %get3A_89 = arith.constant 0 : index
      %get3A_90 = arith.constant 0 : index
      %get3A_91 = vector.load %arg7[%get3A_89, %get3A_90] : memref<1x1xf32, #tpu.memory_space<vmem>>, vector<1x1xf32>
      %div3A_92 = arith.constant 5.120000e+04 : f32
      %div3A_93 = vector.broadcast %div3A_92 : f32 to vector<1x1xf32>
      %div3A_94 = arith.divf %get3A_91, %div3A_93 : vector<1x1xf32>
      %swap3A_95 = arith.constant 0 : index
      %swap3A_96 = arith.constant 0 : index
      %swap3A_97 = vector.load %arg7[%swap3A_95, %swap3A_96] : memref<1x1xf32, #tpu.memory_space<vmem>>, vector<1x1xf32>
      tpu.vector_store %arg7[%swap3A_95, %swap3A_96], %div3A_94 {strides = array<i32>} : memref<1x1xf32, #tpu.memory_space<vmem>>, vector<1x1xf32>,
    } else {
    }
    return
  }
  func.func @transform_0(%arg0: i32) -> (i32, i32) {
    %c0_i32 = arith.constant 0 : i32
    %c0_i32_0 = arith.constant 0 : i32
    return %arg0, %c0_i32 : i32, i32
  }
  func.func @transform_1(%arg0: i32) -> (i32, i32) {
    %c0_i32 = arith.constant 0 : i32
    %c0_i32_0 = arith.constant 0 : i32
    return %arg0, %c0_i32 : i32, i32
  }
  func.func @transform_2(%arg0: i32) -> (i32, i32) {
    %c0_i32 = arith.constant 0 : i32
    %c0_i32_0 = arith.constant 0 : i32
    return %arg0, %c0_i32 : i32, i32
  }
  func.func @transform_3(%arg0: i32) -> (i32, i32, i32) {
    %c0_i32 = arith.constant 0 : i32
    %c0_i32_0 = arith.constant 0 : i32
    %c0_i32_1 = arith.constant 0 : i32
    return %arg0, %c0_i32, %c0_i32_0 : i32, i32, i32
  }
  func.func @transform_4(%arg0: i32) -> (i32, i32) {
    %c0_i32 = arith.constant 0 : i32
    %c0_i32_0 = arith.constant 0 : i32
    return %arg0, %c0_i32 : i32, i32
  }
  func.func @transform_5(%arg0: i32) -> (i32, i32) {
    %c0_i32 = arith.constant 0 : i32
    %c0_i32_0 = arith.constant 0 : i32
    return %arg0, %c0_i32 : i32, i32
  }
  func.func @transform_6(%arg0: i32) -> (i32, i32) {
    %c0_i32 = arith.constant 0 : i32
    %c0_i32_0 = arith.constant 0 : i32
    %c0_i32_1 = arith.constant 0 : i32
    return %c0_i32, %c0_i32_0 : i32, i32
  }
}

</mosaic_0001>

<sc_bundles>
// kernel: kernel.6.cloned.1.call-start
scs
__scs_entry_jumppad:
0x0: {  	(pc) =	sbr.rel $0x88, $3  }
0x1: {  	(tag) =	ssettag $0x0;
	lr =	simm.s32 $0x1  }
0x2: {  	[smem:$0x3F9A] =	sst lr;
	_ =	strace $0xD0000000  }
0x3: {  	_ = 	snop  }
0x4: {  	_ = 	snop  }
0x5: {  	_ = 	snop  }
0x6: {  	_ = 	snop  }
0x7: {  	_ = 	snop  }
__scs_overlays_trampoline_lowered:
0x8: {  	[smem:$0x3FA9] =	sst s0  }
0x9: {  	[smem:$0x3FAA] =	sst s1  }
0xa: {  	[smem:$0x3FAB] =	sst s2  }
0xb: {  	[smem:$0x3FAC] =	sst s3  }
0xc: {  	[smem:$0x3FAD] =	sst s4  }
0xd: {  	[smem:$0x3FAE] =	sst s5  }
0xe: {  	[smem:$0x3FAF] =	sst s6  }
0xf: {  	[smem:$0x3FB0] =	sst s7  }
0x10: {  	[smem:$0x3FB1] =	sst s8  }
0x11: {  	[smem:$0x3FB2] =	sst s9;
	s0 =	simm.s32 @!p0 $0x0  }
0x12: {  	s1 =	sld [smem:$0x3F98];
	s0 =	simm.s32 @p0 $0x1  }
0x13: {  	[smem:$0x3FB3] =	sst s0;
	s0 =	simm.s32 @!p1 $0x0  }
0x14: {  	s2 =	sld [smem:$0x3F97];
	s0 =	simm.s32 @p1 $0x1  }
0x15: {  	[smem:$0x3FB4] =	sst s0;
	s0 =	simm.s32 @!p2 $0x0  }
0x16: {  	s3 =	sld [smem:$0x3FDB];
	s0 =	simm.s32 @p2 $0x1  }
0x17: {  	s4 =	simm.s32 $0x1BF5;
	[smem:$0x3FB6] =	sst s0  }
0x18: {  	s0 =	sld [smem:$0x3F99];
	_ =	swait.ge [sflag:s4], $0x0  }
0x19: {  	s7 =	sld [smem:$0x3F9A]  }
0x1a: {  	s8 =	sadd.s32 $0xFFFFE003, lr  }
0x1b: {  	s9 =	sadd.s32 $0xFFFFFEF7, lr;
	s5 =	simm.s32 $0xFFFFFFFF;
	p2 =	slt.u32 s8, $0xFFFFF086  }
0x1c: {  	p1 =	slt.u32 s9, $0xF7A;
	s5 =	simm.s32 @!p2 $0x0  }
0x1d: {  	s5 =	simm.s32 @p1 $0x1;
	p0 =	seq.s32 s7, s2  }
0x1e: {  	s7 =	smul.u32 @!p0 $0xF7A, s2;
	p2 =	seq.s32 @!p0 s5, $0x0  }
0x1f: {  	s9 =	smul.u32 $0xF7A, s1;
	s8 =	simm.s32 @!p0 $0x1BF5;
	p2 =	por !p2, p0  }
0x20: {  	[sflag:s8] =	ssyncset.s32 @!p0 $0xFFFFF086;
	s6 =	sadd.s32 @!p0 s3, s7;
	s7 =	simm.s32 @!p0 $0x108  }
0x21: {  	s3 =	sadd.s32 s3, s9;
	s6 =	sadd.s32 @!p0 $0x88, s6;
	s7 =	simm.s32 @p2 $0x1082  }
0x22: {  	[simem:s7], [sflag:s8] =	dma.local @!p0 [hbm:s6], $0xF7A  }
0x23: {  	s9 =	sor.u32 $0xD0000000, s2;
	s6 =	simm.s32 $0x108;
	_ =	swait.ge @!p0 [sflag:s8], $0x0  }
0x24: {  	s3 =	sadd.s32 $0x88, s3;
	s6 =	simm.s32 @!p1 $0x1082;
	[sflag:s4] =	ssyncset.s32 $0xFFFFF086  }
0x25: {  	[simem:s6], [sflag:s4] =	dma.local [hbm:s3], $0xF7A  }
0x26: {  	[smem:$0x3F9A] =	sst s1;
	(tag) =	ssettag s2;
	_ =	strace s9  }
0x27: {  	s1 =	sld [smem:$0x3FAA]  }
0x28: {  	s2 =	sld [smem:$0x3FAB]  }
0x29: {  	s4 =	sld [smem:$0x3FAD]  }
0x2a: {  	p0 =	seq.s32 s5, $0x0;
	s5 =	sld [smem:$0x3FAE]  }
0x2b: {  	s6 =	sld [smem:$0x3FAF]  }
0x2c: {  	s7 =	sld [smem:$0x3FB0]  }
0x2d: {  	s3 =	simm.s32 $0x108;
	s8 =	sld [smem:$0x3FB1]  }
0x2e: {  	s3 =	simm.s32 @!p0 $0x1082;
	s9 =	sld [smem:$0x3FB2]  }
0x2f: {  	lr =	sadd.s32 s0, s3;
	s0 =	sld [smem:$0x3FA9]  }
0x30: {  	s3 =	sld [smem:$0x3FAC]  }
0x31: {  	[smem:$0x3FB5] =	sst s10  }
0x32: {  	s10 =	sld [smem:$0x3FB3];
	_ =	sdelay $0x3  }
0x33: {  	p0 =	seq.s32 s10, $0x1;
	s10 =	sld [smem:$0x3FB5];
	_ =	sdelay $0x3  }
0x34: {  	[smem:$0x3FB5] =	sst s10  }
0x35: {  	s10 =	sld [smem:$0x3FB4];
	_ =	sdelay $0x3  }
0x36: {  	p1 =	seq.s32 s10, $0x1;
	s10 =	sld [smem:$0x3FB5];
	_ =	sdelay $0x3  }
0x37: {  	[smem:$0x3FB5] =	sst s10  }
0x38: {  	s10 =	sld [smem:$0x3FB6]  }
0x39: {  	_ = 	snop;
	(pc) =	sbr.ind lr, $3  }
0x3a: {  	_ = 	snop  }
0x3b: {  	_ = 	snop  }
0x3c: {  	p2 =	seq.s32 s10, $0x1;
	s10 =	sld [smem:$0x3FB5]  }
0x3d: {  	_ =	shalt  }
0x3e: {  	_ =	shalt  }
0x3f: {  	_ =	shalt  }
0x40: {  	_ =	shalt  }
0x41: {  	_ =	shalt  }
0x42: {  	_ =	shalt  }
0x43: {  	_ =	shalt  }
0x44: {  	_ =	shalt  }
0x45: {  	_ =	shalt  }
0x46: {  	_ =	shalt  }
0x47: {  	_ =	shalt  }
0x48: {  	_ =	shalt  }
0x49: {  	_ =	shalt  }
0x4a: {  	_ =	shalt  }
0x4b: {  	_ =	shalt  }
0x4c: {  	_ =	shalt  }
0x4d: {  	_ =	shalt  }
0x4e: {  	_ =	shalt  }
0x4f: {  	_ =	shalt  }
0x50: {  	_ =	shalt  }
0x51: {  	_ =	shalt  }
0x52: {  	_ =	shalt  }
0x53: {  	_ =	shalt  }
0x54: {  	_ =	shalt  }
0x55: {  	_ =	shalt  }
0x56: {  	_ =	shalt  }
0x57: {  	_ =	shalt  }
0x58: {  	_ =	shalt  }
0x59: {  	_ =	shalt  }
0x5a: {  	_ =	shalt  }
0x5b: {  	_ =	shalt  }
0x5c: {  	_ =	shalt  }
0x5d: {  	_ =	shalt  }
0x5e: {  	_ =	shalt  }
0x5f: {  	_ =	shalt  }
0x60: {  	_ =	shalt  }
0x61: {  	_ =	shalt  }
0x62: {  	_ =	shalt  }
0x63: {  	_ =	shalt  }
0x64: {  	_ =	shalt  }
0x65: {  	_ =	shalt  }
0x66: {  	_ =	shalt  }
0x67: {  	_ =	shalt  }
0x68: {  	_ =	shalt  }
0x69: {  	_ =	shalt  }
0x6a: {  	_ =	shalt  }
0x6b: {  	_ =	shalt  }
0x6c: {  	_ =	shalt  }
0x6d: {  	_ =	shalt  }
0x6e: {  	_ =	shalt  }
0x6f: {  	_ =	shalt  }
0x70: {  	_ =	shalt  }
0x71: {  	_ =	shalt  }
0x72: {  	_ =	shalt  }
0x73: {  	_ =	shalt  }
0x74: {  	_ =	shalt  }
0x75: {  	_ =	shalt  }
0x76: {  	_ =	shalt  }
0x77: {  	_ =	shalt  }
0x78: {  	_ =	shalt  }
0x79: {  	_ =	shalt  }
0x7a: {  	_ =	shalt  }
0x7b: {  	_ =	shalt  }
0x7c: {  	_ =	shalt  }
0x7d: {  	_ =	shalt  }
0x7e: {  	_ =	shalt  }
0x7f: {  	_ =	shalt  }
0x80: {  	_ =	shalt  }
0x81: {  	_ =	shalt  }
0x82: {  	_ =	shalt  }
0x83: {  	_ =	shalt  }
0x84: {  	_ =	shalt  }
0x85: {  	_ =	shalt  }
0x86: {  	_ =	shalt  }
0x87: {  	_ =	shalt  }
.Lfunc_end0:
.L_simem_size_0:
called_computation_lowered:
.L_overlay_start_0:
0x88: {  	s2 =	sld [smem:$0x3FD9]  }
0x89: {  	s3 =	sld [smem:$0x3FFE];
	_ =	sdelay $0x1  }
0x8a: {  	s1 =	srdreg.scid  }
0x8b: {  	s0 =	sand.u32 $0x1, s1  }
0x8c: {  	s14 =	sshll.u32 s0, $0xA;
	s2 =	sadd.s32 s3, s2  }
0x8d: {  	s2 =	sadd.s32 s2, s14  }
0x8e: {  	[smem:$0x3FC1] =	sst s2  }
0x8f: {  	_ = 	snop  }
0x90: {  	s2 =	sld [smem:$0x3FD0];
	_ =	sdelay $0x2  }
0x91: {  	s15 =	simm.s32 $0xA;
	s4 =	simm.s32 $0x10  }
0x92: {  	[smem:s4], [sflag:s15] =	dma.local [hbm:s2], $0x1  }
0x93: {  	_ =	swait.eq [sflag:s15], $0x1  }
0x94: {  	[sflag:s15] =	ssyncset.done $0x0  }
0x95: {  	[sflag:s15] =	ssyncadd.s32 $0xFFFFFFFF  }
0x96: {  	s16 =	sld [smem:$0x11];
	(tm) =	ssettm $0x1  }
0x97: {  	s17 =	sld [smem:$0x3FFB];
	_ =	sdelay $0x3  }
0x98: {  	_ =	strace s17  }
0x99: {  	s3 =	sld [smem:$0x3FFC];
	_ =	sdelay $0x3  }
0x9a: {  	_ =	strace s3  }
0x9b: {  	s3 =	sld [smem:$0x3FFD];
	_ =	sdelay $0x3  }
0x9c: {  	_ =	strace s3  }
0x9d: {  	_ =	strace $0x8FFFFFFF  }
0x9e: {  	s18 =	sld [smem:$0x3FDB];
	_ =	sdelay $0x1  }
0x9f: {  	s19 =	simm.s32 $_scs_section_size  }
0xa0: {  	s5 =	simm.s32 $_size__tile_overlayer_lowered;
	s6 =	simm.s32 $_tile_overlayer_lowered  }
0xa1: {  	s22 =	simm.s32 $0x1BFF;
	s21 =	sshll.u32 s6, $0x1;
	s3 =	sadd.s32 s19, s18  }
0xa2: {  	s7 =	simm.s32 $0x0;
	s20 =	sshll.u32 s5, $0x1;
	s5 =	sadd.s32 s21, s3  }
0xa3: {  	[timem:s7], [sflag:s22] =	dma.local [hbm:s5], s20  }
0xa4: {  	_ =	swait.ge [sflag:s22], s20  }
0xa5: {  	s4 =	ssub.s32 $0x0, s20;
	[sflag:s22] =	ssyncset.done $0x0  }
0xa6: {  	[sflag:s22] =	ssyncadd.s32 s4;
	_ =	sdelay $0x1  }
0xa7: {  	s23 =	simm.s32 $0x1B8B  }
0xa8: {  	_ =	swait.ge [sflag:s23], $0x1  }
0xa9: {  	[sflag:s23] =	ssyncset.done $0x0  }
0xaa: {  	s25 =	simm.s32 $0x1B8E;
	s24 =	sld [smem:$0x3FFE];
	[sflag:s23] =	ssyncadd.s32 $0xFFFFFFFF  }
0xab: {  	s26 =	simm.s32 $execute0_lowered;
	[smem:$0x3FD2] =	sst s25  }
0xac: {  	s5 =	sshll.u32 s26, $0x1;
	_ =	strace $0x80000046;
	[dreg:$0x1] =	wrdreg $0xFFFFFFFF  }
0xad: {  	s28 =	simm.s32 $_size_execute0_lowered;
	s3 =	sadd.s32 s3, s5;
	[dreg:$0x0] =	wrdreg $0x0  }
0xae: {  	s5 =	sshll.u32 s28, $0x1;
	[dreg:$0x2] =	wrdreg s3  }
0xaf: {  	[dreg:$0x3] =	wrdreg s5  }
0xb0: {  	[dreg:$0x4] =	wrdreg $0xC0  }
0xb1: {  	_ =	task [dreg:s7], $0x5FFFF  }
0xb2: {  	[dreg:$0x1] =	wrdreg $0xFFFFFFFF  }
0xb3: {  	[dreg:$0x0] =	wrdreg $0x60  }
0xb4: {  	[dreg:$0x2] =	wrdreg s24  }
0xb5: {  	[dreg:$0x3] =	wrdreg s16  }
0xb6: {  	[dreg:$0x4] =	wrdreg $0x9  }
0xb7: {  	_ =	task.clear_ibuf [dreg:s7], $0x5FFFF;
	_ =	strace $0x90000046  }
0xb8: {  	s29 =	simm.s32 $0x9;
	_ =	strace $0x80000048  }
0xb9: {  	_ =	swait.ge [sflag:s29], $0x1  }
0xba: {  	[sflag:s29] =	ssyncadd.s32 $0xFFFFFFFF  }
0xbb: {  	_ =	strace $0x90000048  }
0xbc: {  	_ =	sfence  }
0xbd: {  	s30 =	sld [smem:$0x0];
	_ =	sdelay $0x2  }
0xbe: {  	s31 =	sshll.u32 s1, $0xD;
	s1 =	sshrl.u32 s1, $0x2  }
0xbf: {  	s3 =	sand.u32 $0x4000, s31;
	s1 =	sadd.s32 s1, s30  }
0xc0: {  	s0 =	sor.u32 s3, s0;
	s1 =	sshll.u32 s1, $0x11  }
0xc1: {  	s0 =	sor.u32 s1, s0  }
0xc2: {  	s0 =	sadd.s32 $0x8F2B, s0  }
0xc3: {  	[sflag:s0] =	ssyncadd.remote.s32 $0x1  }
0xc4: {  	_ =	sfence.sel $0xFFFF  }
0xc5: {  	[dreg:$0x0] =	wrdreg $0xFFFFFFFF;
	(pc) =	sbr.abs _section_cstart, $3  }
0xc6: {  	[dreg:$0x1] =	wrdreg $0xFFFFFFFF  }
0xc7: {  	_ =	task.clear_ibuf [dreg:s7], $0x2FFFF;
	_ =	strace $0x9FFFFFFF  }
0xc8: {  	(tm) =	ssettm $0x7FFFFFFF  }
0xc9: {  	_ =	shalt  }
tec
execute0_lowered:
.L_overlay_start_1:
0x0: {  	(tag) =	ssettag $0x1  }
0x1: {  	s1 =	srdreg.scid;
	s4 =	rddreg [dreg:$0x0]  }
0x2: {  	s0 =	stileid.u32;
	s6 =	rddreg [dreg:$0x1];
	s2 =	simm.s32 $0x0  }
0x3: {  	s14 =	simm.s32 $0x50;
	s16 =	simm.s32 $0x78;
	s17 =	simm.s32 $0x3700  }
0x4: {  	s18 =	simm.s32 $0xA0;
	s19 =	simm.s32 $0x4100;
	s20 =	simm.s32 $0x83C0  }
0x5: {  	s21 =	simm.s32 $0x7;
	s22 =	simm.s32 $0x3;
	s23 =	simm.s32 $0x8  }
0x6: {  	s24 =	simm.s32 $0x4;
	s25 =	simm.s32 $0x0;
	s5 =	sand.u32 $0x1, s1  }
0x7: {  	s29 =	sshll.u32 s0, $0x1;
	[smem:$0x7FF] =	sst s2;
	s9 =	smul.u32 $0x6400, s0  }
0x8: {  	s7 =	sor.u32 s5, s29;
	_ =	strace $0x80000047;
	s12 =	smul.u32 $0x3200, s5  }
0x9: {  	s30 =	ssub.s32 $0x2, s5;
	s3 =	smul.u32 $0x320, s7;
	s10 =	sshll.u32 s7, $0x8  }
0xa: {  	s7 =	smul.u32 $0x640, s7;
	s9 =	sadd.s32 s9, s4;
	s11 =	sshrl.u32 s30, $0x1  }
.Ltmp0:
0xb: {  	s10 =	sadd.s32 s10, s4;
	s11 =	ssub.s32 s30, s11;
	(pc) =	sbr.rel .LBB2_1-.Ltmp0, $4  }
0xc: {  	s31 =	sadd.s32 s12, s9;
	s9 =	simm.s32 $0x9;
	s8 =	sadd.s32 s3, s4  }
0xd: {  	s3 =	sadd.s32 $0x1000, s4;
	s7 =	sshrl.u32 s7, $0x3;
	s4 =	sadd.s32 $0x7C1000, s8  }
0xe: {  	s5 =	sadd.s32 s6, s7;
	s6 =	sadd.s32 $0x82B400, s10;
	s7 =	smax.u32 s11, $0x1  }
0xf: {  	s8 =	sadd.s32 $0x7C7400, s31;
	s10 =	simm.s32 $0x7D80;
	s11 =	simm.s32 $0x28  }
.LBB2_12:
0x10: {  	_ =	swait.ge [sflag:s21], $0x1400  }
0x11: {  	[sflag:s21] =	ssyncset.done $0x0  }
0x12: {  	[sflag:s21] =	ssyncadd.s32 $0xFFFFEC00  }
0x13: {  	_ =	swait.ge [sflag:s22], $0x40  }
0x14: {  	[sflag:s22] =	ssyncset.done $0x0  }
0x15: {  	s25 =	sadd.s32 $0x1, s25;
	[sflag:s22] =	ssyncadd.s32 $0xFFFFFFC0  }
0x16: {  	p0 =	sne.s32 s25, s7;
	_ =	swait.ge [sflag:s23], $0x1400  }
.Ltmp1:
0x17: {  	[sflag:s23] =	ssyncset.done $0x0;
	(pc) =	sbr.rel @!p0 .LBB2_13-.Ltmp1, $4  }
0x18: {  	[sflag:s23] =	ssyncadd.s32 $0xFFFFEC00  }
0x19: {  	_ =	swait.ge [sflag:s24], $0x40  }
0x1a: {  	[sflag:s24] =	ssyncset.done $0x0  }
0x1b: {  	[sflag:s24] =	ssyncadd.s32 $0xFFFFFFC0  }
.LBB2_1:
0x1c: {  	[tilespmem:s2], [sflag:$0x9] =	stream.linear.gather [hbm4b:s4+s2], $0x1900, $0x38;
	[tilespmem:$0xABC0] =	vst v63  }
0x1d: {  	_ =	swait.ge [sflag:s9], $0x1900  }
0x1e: {  	[sflag:s9] =	ssyncset.done $0x0  }
0x1f: {  	[sflag:s9] =	ssyncadd.s32 $0xFFFFE700  }
0x20: {  	[tilespmem:s10], [sflag:$0x9] =	stream.linear.gather [hbm4b:s5+s2], $0x640, $0x38;
	[tilespmem:$0xABC0] =	vst v63  }
0x21: {  	_ =	swait.ge [sflag:s9], $0x640  }
0x22: {  	[sflag:s9] =	ssyncset.done $0x0  }
0x23: {  	s0 =	simm.s32 $0x1900;
	[sflag:s9] =	ssyncadd.s32 $0xFFFFF9C0  }
0x24: {  	[tilespmem:s0], [sflag:$0x1] =	stream.indirect.gather [hbm4b:s3+s11], $0x40, s2, s11, $0xb8;
	[tilespmem:$0xABC0] =	vst v63  }
0x25: {  	s30 =	simm.s32 $0x2300  }
0x26: {  	[tilespmem:s30], [sflag:$0x1] =	stream.indirect.gather [hbm4b:s3+s11], $0x40, s11, s11, $0xb8;
	[tilespmem:$0xABC0] =	vst v63  }
0x27: {  	s31 =	simm.s32 $0x2D00  }
0x28: {  	[tilespmem:s31], [sflag:$0x1] =	stream.indirect.gather [hbm4b:s3+s11], $0x40, s14, s11, $0xb8;
	[tilespmem:$0xABC0] =	vst v63  }
0x29: {  	_ = 	snop  }
0x2a: {  	[tilespmem:s17], [sflag:$0x1] =	stream.indirect.gather [hbm4b:s3+s11], $0x40, s16, s11, $0xb8;
	[tilespmem:$0xABC0] =	vst v63  }
0x2b: {  	p0 =	por $0x0, $0x0;
	s26 =	simm.s32 $0x0  }
0x2c: {  	[tilespmem:s19], [sflag:$0x1] =	stream.indirect.gather [hbm4b:s3+s11], $0x40, s18, s11, $0xb8;
	[tilespmem:$0xABC0] =	vst v63  }
.LBB2_2:
0x2d: {  	s29 =	sand.u32 $0x1, s26;
	p1 =	seq.s32 s26, $0x1F  }
0x2e: {  	s30 =	sxor.u32 @!p1 $0x1, s29  }
0x2f: {  	s28 =	sadd.s32 $0x1, s26;
	s31 =	smul.u32 @!p1 $0xC800, s30  }
0x30: {  	s0 =	simm.s32 $0x1;
	s1 =	smul.u32 @!p1 $0x320, s28  }
0x31: {  	s13 =	simm.s32 @!p1 $0x28;
	s0 =	simm.s32 @!p0 $0x0;
	s31 =	sshrl.u32 @!p1 s31, $0x2  }
0x32: {  	s30 =	sadd.s32 @!p1 $0x1, s30;
	s1 =	sshra.s32 @!p1 s1, $0x2;
	s12 =	sadd.s32 @!p1 $0x1900, s31  }
0x33: {  	[tilespmem:s12], [sflag:s30] =	stream.indirect.gather @!p1 [hbm4b:s3+s13], $0x40, s1, s13, $0xb8;
	[tilespmem:$0xABC0] =	vst v63  }
0x34: {  	s0 =	smul.u32 $0xC800, s0;
	s15 =	sadd.s32 @!p1 $0x28, s1;
	s12 =	sadd.s32 @!p1 $0x2300, s31  }
0x35: {  	[tilespmem:s12], [sflag:s30] =	stream.indirect.gather @!p1 [hbm4b:s3+s13], $0x40, s15, s13, $0xb8;
	[tilespmem:$0xABC0] =	vst v63  }
0x36: {  	s0 =	sshrl.u32 s0, $0x2;
	s12 =	sadd.s32 @!p1 $0x2D00, s31;
	s15 =	sadd.s32 @!p1 $0x50, s1  }
0x37: {  	[tilespmem:s12], [sflag:s30] =	stream.indirect.gather @!p1 [hbm4b:s3+s13], $0x40, s15, s13, $0xb8;
	[tilespmem:$0xABC0] =	vst v63  }
0x38: {  	s0 =	sadd.s32 $0x1980, s0;
	s12 =	sadd.s32 @!p1 $0x3700, s31;
	s15 =	sadd.s32 @!p1 $0x78, s1  }
0x39: {  	[tilespmem:s12], [sflag:s30] =	stream.indirect.gather @!p1 [hbm4b:s3+s13], $0x40, s15, s13, $0xb8;
	[tilespmem:$0xABC0] =	vst v63  }
0x3a: {  	v0 =	vmov s0;
	s1 =	sadd.s32 @!p1 $0xA0, s1;
	s12 =	sor.u32 @!p1 $0x4100, s31;
	s15 =	sadd.s32 $0x1, s29  }
0x3b: {  	[tilespmem:s12], [sflag:s30] =	stream.indirect.gather @!p1 [hbm4b:s3+s13], $0x40, s1, s13, $0xb8;
	[tilespmem:$0xABC0] =	vst v63  }
0x3c: {  	_ =	swait.ge [sflag:s15], $0x3200  }
0x3d: {  	[sflag:s15] =	ssyncset.done $0x0  }
0x3e: {  	s30 =	simm.s32 $0x0;
	[sflag:s15] =	ssyncadd.s32 $0xFFFFCE00  }
0x3f: {  	v1 =	vld.idx.msk [tilespmem:v0+s30+$0x40 ss:$0x1], $0xffff  }
0x40: {  	v2 =	vld.idx.msk [tilespmem:v0+s30+$0x50 ss:$0x1], $0xffff  }
0x41: {  	v4 =	vld.idx.msk [tilespmem:v0+s30+$0x0 ss:$0x1], $0xffff  }
0x42: {  	v3 =	vld.idx.msk [tilespmem:v0+s30+$0x10 ss:$0x1], $0xffff  }
0x43: {  	v5 =	vld.idx.msk [tilespmem:v0+s30+$0xFFFFFFC0 ss:$0x1], $0xffff  }
0x44: {  	v6 =	vld.idx.msk [tilespmem:v0+s30+$0xFFFFFFD0 ss:$0x1], $0xffff  }
0x45: {  	v11 =	vld.idx.msk [tilespmem:v0+s30+$0xFFFFFF80 ss:$0x1], $0xffff  }
0x46: {  	v8 =	vimm.f32 $0.0e+00;
	v13 =	vld.idx.msk [tilespmem:v0+s30+$0xFFFFFF90 ss:$0x1], $0xffff  }
0x47: {  	v10 =	vimm.f32 $0.0e+00;
	v9 =	vimm.f32 $0.0e+00;
	v7 =	vimm.f32 $0.0e+00;
	s31 =	simm.s32 $0x400;
	v12 =	vld.idx.msk [tilespmem:v0+s30+$0xFFFFFFA0 ss:$0x1], $0xffff  }
.LBB2_3:
0x48: {  	p1 =	sne.s32 s31, $0xC400;
	v14 =	vld.idx.msk [tilespmem:v0+s30+$0xFFFFFFB0 ss:$0x1], $0xffff  }
0x49: {  	v15 =	vld.idx.msk [tilespmem:v0+s30+$0xFFFFFFE0 ss:$0x1], $0xffff  }
0x4a: {  	v16 =	vld.idx.msk [tilespmem:v0+s30+$0xFFFFFFF0 ss:$0x1], $0xffff  }
0x4b: {  	v17 =	vld.idx.msk [tilespmem:v0+s30+$0x20 ss:$0x1], $0xffff  }
0x4c: {  	v18 =	vld.idx.msk [tilespmem:v0+s30+$0x30 ss:$0x1], $0xffff  }
0x4d: {  	v8 =	vadd.f32 v11, v8;
	v10 =	vadd.f32 v13, v10;
	v11 =	vld.idx.msk [tilespmem:v0+s30+$0x60 ss:$0x1], $0xffff  }
0x4e: {  	v9 =	vadd.f32 v12, v9;
	v7 =	vadd.f32 v14, v7;
	v12 =	vld.idx.msk [tilespmem:v0+s30+$0x70 ss:$0x1], $0xffff;
	s30 =	sshra.s32 s31, $0x2  }
0x4f: {  	v5 =	vadd.f32 v5, v8;
	v6 =	vadd.f32 v6, v10;
	v13 =	vld.idx.msk [tilespmem:v0+s30+$0x40 ss:$0x1], $0xffff  }
0x50: {  	v8 =	vadd.f32 v15, v9;
	v7 =	vadd.f32 v16, v7;
	v14 =	vld.idx.msk [tilespmem:v0+s30+$0x50 ss:$0x1], $0xffff  }
0x51: {  	v9 =	vadd.f32 v4, v5;
	v6 =	vadd.f32 v3, v6;
	v4 =	vld.idx.msk [tilespmem:v0+s30+$0x0 ss:$0x1], $0xffff  }
0x52: {  	v15 =	vadd.f32 v17, v8;
	v7 =	vadd.f32 v18, v7;
	v3 =	vld.idx.msk [tilespmem:v0+s30+$0x10 ss:$0x1], $0xffff  }
.Ltmp2:
0x53: {  	v8 =	vadd.f32 v1, v9;
	v10 =	vadd.f32 v2, v6;
	v5 =	vld.idx.msk [tilespmem:v0+s30+$0xFFFFFFC0 ss:$0x1], $0xffff;
	(pc) =	sbr.rel @p1 .LBB2_3-.Ltmp2, $4  }
0x54: {  	v9 =	vadd.f32 v11, v15;
	v7 =	vadd.f32 v12, v7;
	v6 =	vld.idx.msk [tilespmem:v0+s30+$0xFFFFFFD0 ss:$0x1], $0xffff  }
0x55: {  	v1 =	vmov v13;
	v11 =	vld.idx.msk [tilespmem:v0+s30+$0xFFFFFF80 ss:$0x1], $0xffff  }
0x56: {  	v2 =	vmov v14;
	v13 =	vld.idx.msk [tilespmem:v0+s30+$0xFFFFFF90 ss:$0x1], $0xffff  }
0x57: {  	s31 =	sadd.s32 $0x400, s31;
	v12 =	vld.idx.msk [tilespmem:v0+s30+$0xFFFFFFA0 ss:$0x1], $0xffff  }
0x58: {  	_ =	sdelay $0x3  }
0x59: {  	v14 =	vld.idx.msk [tilespmem:v0+s30+$0xFFFFFFB0 ss:$0x1], $0xffff  }
0x5a: {  	v15 =	vld.idx.msk [tilespmem:v0+s30+$0xFFFFFFE0 ss:$0x1], $0xffff  }
0x5b: {  	v16 =	vld.idx.msk [tilespmem:v0+s30+$0xFFFFFFF0 ss:$0x1], $0xffff;
	v8 =	vadd.f32 v11, v8  }
0x5c: {  	v56 =	vld.idx.msk [tilespmem:v0+s30+$0x20 ss:$0x1], $0xffff;
	v10 =	vadd.f32 v13, v10  }
0x5d: {  	v57 =	vld.idx.msk [tilespmem:v0+s30+$0x30 ss:$0x1], $0xffff;
	v9 =	vadd.f32 v12, v9;
	v5 =	vadd.f32 v5, v8  }
0x5e: {  	v58 =	vld.idx.msk [tilespmem:v0+s30+$0x60 ss:$0x1], $0xffff;
	p1 =	slt.u32 s26, $0x2;
	v7 =	vadd.f32 v14, v7;
	v6 =	vadd.f32 v6, v10  }
0x5f: {  	v59 =	vld.idx.msk [tilespmem:v0+s30+$0x70 ss:$0x1], $0xffff;
	s0 =	sadd.s32 @!p1 $0x3, s29;
	v9 =	vadd.f32 v15, v9;
	v4 =	vadd.f32 v4, v5  }
0x60: {  	_ =	swait.ge @!p1 [sflag:s0], $0x40;
	v60 =	vadd.f32 v16, v7;
	v3 =	vadd.f32 v3, v6  }
0x61: {  	[sflag:s0] =	ssyncset.done @!p1 $0x0;
	v61 =	vadd.f32 v56, v9;
	v1 =	vadd.f32 v1, v4  }
0x62: {  	s30 =	sshll.u32 s29, $0x6;
	[sflag:s0] =	ssyncadd.s32 @!p1 $0xFFFFFFC0;
	p1 =	sne.s32 s28, $0x20;
	v62 =	vadd.f32 v57, v60;
	v2 =	vadd.f32 v2, v3  }
.Ltmp3:
0x63: {  	v63 =	vadd.f32 v58, v61;
	[tilespmem:s30+$0x7D00] =	vst v1;
	(pc) =	sbr.rel @p1 .LBB2_2-.Ltmp3, $4  }
0x64: {  	v0 =	vadd.f32 v59, v62;
	[tilespmem:s30+$0x7D10] =	vst v2  }
0x65: {  	s1 =	sshll.u32 s26, $0x3;
	s31 =	sadd.s32 $0x3, s29;
	p0 =	por !p0, !p0;
	[tilespmem:s30+$0x7D20] =	vst v63  }
0x66: {  	s26 =	smov.u32 s28;
	s12 =	sor.u32 $0x7D00, s30;
	s1 =	sadd.s32 s1, s6;
	[tilespmem:s30+$0x7D30] =	vst v0  }
0x67: {  	[hbm4b:s1+s2] =	stream.linear.scatter [tilespmem:s12], [sflag:s31], $0x40, $0x38;
	[tilespmem:$0xABC0] =	vst v63  }
.Ltmp4:
0x68: {  	(pc) =	sbr.rel .LBB2_6-.Ltmp4, $3  }
0x69: {  	_ =	sdelay $0x1  }
0x6a: {  	[tilespmem:s20], [sflag:$0x5] =	stream.indirect.gather [hbm4b:s3+s14], $0x40, s10, s14, $0xb8;
	[tilespmem:$0xABC0] =	vst v63  }
0x6b: {  	s26 =	simm.s32 $0x0;
	s28 =	simm.s32 $0x7DD0;
	s29 =	smov.u32 s8  }
.LBB2_7:
0x6c: {  	s31 =	simm.s32 $0x1  }
.LBB2_10:
0x6d: {  	s0 =	smul.u32 $0x5000, s31;
	_ =	sdelay $0x1  }
0x6e: {  	s0 =	sshrl.u32 s0, $0x2  }
0x6f: {  	s1 =	sadd.s32 $0x5, s31;
	s0 =	sor.u32 $0x83C0, s0  }
0x70: {  	[tilespmem:s0], [sflag:s1] =	stream.indirect.gather [hbm4b:s3+s14], $0x40, s28, s14, $0xb8;
	[tilespmem:$0xABC0] =	vst v63  }
.LBB2_11:
0x71: {  	s26 =	sadd.s32 $0x1, s26  }
0x72: {  	s0 =	sadd.s32 $0x5, s30;
	s1 =	smul.u32 $0x5000, s30;
	p0 =	sne.s32 s26, $0x14  }
.Ltmp5:
0x73: {  	_ =	swait.ge [sflag:s0], $0x1400;
	(pc) =	sbr.rel @!p0 .LBB2_12-.Ltmp5, $4  }
0x74: {  	[sflag:s0] =	ssyncset.done $0x0;
	s1 =	sshrl.u32 s1, $0x2  }
0x75: {  	s31 =	sadd.s32 $0x7, s30;
	[sflag:s0] =	ssyncadd.s32 $0xFFFFEC00;
	s1 =	sor.u32 $0x83C0, s1  }
0x76: {  	[hbm4b:s29+s2] =	stream.linear.scatter [tilespmem:s1], [sflag:s31], $0x1400, $0x38;
	[tilespmem:$0xABC0] =	vst v63  }
0x77: {  	s28 =	sadd.s32 $0x50, s28;
	s29 =	sadd.s32 $0x280, s29  }
.LBB2_6:
0x78: {  	p0 =	seq.s32 s26, $0x0  }
.Ltmp6:
0x79: {  	_ = 	snop;
	(pc) =	sbr.rel @p0 .LBB2_7-.Ltmp6, $2  }
0x7a: {  	_ =	sdelay $0x2  }
0x7b: {  	s30 =	sand.u32 $0x1, s26  }
0x7c: {  	p0 =	seq.s32 s26, $0x13  }
.Ltmp7:
0x7d: {  	_ = 	snop;
	(pc) =	sbr.rel @p0 .LBB2_11-.Ltmp7, $1  }
0x7e: {  	_ =	sdelay $0x3  }
.Ltmp8:
0x7f: {  	s31 =	sxor.u32 $0x1, s30;
	(pc) =	sbr.rel .LBB2_10-.Ltmp8, $4  }
0x80: {  	s0 =	sadd.s32 $0x7, s31  }
0x81: {  	_ =	swait.ge [sflag:s0], $0x1400  }
0x82: {  	[sflag:s0] =	ssyncset.done $0x0  }
0x83: {  	[sflag:s0] =	ssyncadd.s32 $0xFFFFEC00  }
.LBB2_13:
0x84: {  	_ =	sfence.sel $0x180000  }
0x85: {  	[bflag:$0x0] =	sbarrier.arrive $0xFFFF  }
0x86: {  	_ =	strace $0x90000047  }
0x87: {  	s0 =	stileid.u32;
	[bflag:$0x2] =	sbarrier.arrive $0xFFFF  }
0x88: {  	p0 =	sne.s32 s0, $0x0;
	s0 =	rddreg [dreg:$0x2]  }
0x89: {  	s0 =	sadd.s32 @!p0 $0x100000, s0  }
0x8a: {  	[sflag:s0] =	ssyncadd.tile.s32 @!p0 $0x1;
	_ =	shalt  }
.Lfunc_end2:
_tile_overlayer_lowered:
.L_overlay_start_2:
0x8b: {  	(tag) =	ssettag $0x2  }
0x8c: {  	s0 =	rddreg [dreg:$0x0];
	s2 =	stileid.u32  }
0x8d: {  	s1 =	rddreg [dreg:$0x1];
	p0 =	sne.s32 s2, $0x0  }
0x8e: {  	s3 =	rddreg [dreg:$0x2];
	[bflag:$0x3] =	sbarrier.arrive $0xFFFF;
	s2 =	simm.s32 @!p0 $0x1C09  }
0x8f: {  	[timem:s3], [sflag:s2] =	dma.local @!p0 [hbm:s0], s1  }
0x90: {  	s0 =	simm.s32 @!p0 $0x9  }
0x91: {  	_ =	swait.ge @!p0 [sflag:s0], s1  }
0x92: {  	s1 =	ssub.s32 @!p0 $0x0, s1;
	[sflag:s0] =	ssyncset.done @!p0 $0x0  }
0x93: {  	[sflag:s0] =	ssyncadd.s32 @!p0 s1  }
0x94: {  	[bflag:$0x3] =	sbarrier.arrive $0xFFFF  }
0x95: {  	_ =	shalt  }

</sc_bundles>
